<compile_context>
chip_gen: v7x
topology: tpu7x:2x2x1
jax: 0.10.2.dev20260603
libtpu: 0.0.44.dev20260713+nightly
codegen_flags: <defaults>
</compile_context>

<pallas_src>
import functools

import jax
import jax.numpy as jnp
from jax import lax
from jax.experimental import pallas as pl
from jax.experimental.pallas import tpu as pltpu
from jax.experimental.pallas import tpu_sc as plsc

N = 10000
E = 320000
D = 128

NC = 2
NS = 16
NW = NC * NS
CHUNK = 128
N_CHUNKS = 80
E_PAD = NW * CHUNK * N_CHUNKS
TOTAL_CHUNKS = E_PAD // CHUNK
ROWS_PER_SUB = 624
ROWS_TAIL = N - NS * ROWS_PER_SUB
PAD_ROWS = 512
ACC_ROWS = N + PAD_ROWS

ROW_BLK = 1000
EBLK = E_PAD // 10
CBLK = EBLK // CHUNK


def _dot_t(a, w):
    return lax.dot_general(a, w, (((1,), (1,)), ((), ())),
                           preferred_element_type=jnp.float32)


def _prep_body(ei_ref, o_ref):
    i = pl.program_id(0)
    row_i = lax.broadcasted_iota(jnp.int32, (CBLK, CHUNK), 0)
    col_i = lax.broadcasted_iota(jnp.int32, (CBLK, CHUNK), 1)
    p = i * EBLK + row_i * CHUNK + col_i
    mask = p < E
    q = p - E
    s = ei_ref[0].reshape(CBLK, CHUNK)
    d = ei_ref[1].reshape(CBLK, CHUNK)
    o_ref[:, 0, :] = jnp.where(mask, s, q % N)
    o_ref[:, 1, :] = jnp.where(mask, d, N + (q % PAD_ROWS))


def _prep_edges(edge_index):
    return pl.pallas_call(
        _prep_body,
        grid=(E_PAD // EBLK,),
        in_specs=[pl.BlockSpec((2, EBLK), lambda i: (0, i))],
        out_specs=pl.BlockSpec((CBLK, 2, CHUNK), lambda i: (i, 0, 0)),
        out_shape=jax.ShapeDtypeStruct((TOTAL_CHUNKS, 2, CHUNK), jnp.int32),
    )(edge_index)


def _h_body(x_ref, p_ref, wq_ref, bq_ref, wk_ref, bk_ref, wv_ref, bv_ref,
            h_ref, s_ref, z_ref):
    q = _dot_t(x_ref[...], wq_ref[...]) + bq_ref[...]
    k = _dot_t(p_ref[...], wk_ref[...]) + bk_ref[...]
    v = _dot_t(p_ref[...], wv_ref[...]) + bv_ref[...]
    h = q * k
    h_ref[...] = h
    s_ref[...] = h + v
    z_ref[...] = jnp.zeros_like(z_ref)


def _compute_h(x, prompt, Wq, bq, Wk, bk, Wv, bv):
    grid = (N // ROW_BLK,)
    row_spec = pl.BlockSpec((ROW_BLK, D), lambda i: (i, 0))
    w_spec = pl.BlockSpec((D, D), lambda i: (0, 0))
    b_spec = pl.BlockSpec((1, D), lambda i: (0, 0))
    return pl.pallas_call(
        _h_body,
        grid=grid,
        in_specs=[row_spec, row_spec, w_spec, b_spec, w_spec, b_spec,
                  w_spec, b_spec],
        out_specs=[row_spec, row_spec, row_spec],
        out_shape=[jax.ShapeDtypeStruct((N, D), jnp.float32),
                   jax.ShapeDtypeStruct((N, D), jnp.float32),
                   jax.ShapeDtypeStruct((N, D), jnp.float32)],
    )(x, prompt, Wq, bq, Wk, bk, Wv, bv)


def _sc_seg_sum(h, ei, zeros):
    mesh = plsc.VectorSubcoreMesh(core_axis_name="c", subcore_axis_name="s")

    @functools.partial(
        pl.kernel,
        out_type=jax.ShapeDtypeStruct((NC, N, D), jnp.float32),
        mesh=mesh,
        scratch_types=[
            pltpu.VMEM((2, CHUNK), jnp.int32),
            pltpu.VMEM((2, CHUNK), jnp.int32),
            pltpu.VMEM((2, CHUNK, D), jnp.float32),
            pltpu.VMEM_SHARED((ACC_ROWS, D), jnp.float32),
            pltpu.SemaphoreType.DMA,
            pltpu.SemaphoreType.DMA,
        ],
    )
    def seg_sum(h_hbm, ei_hbm, z_hbm, out_hbm,
                idx_a, idx_b, rows, accum, sem_a, sem_b):
        cid = lax.axis_index("c")
        sid = lax.axis_index("s")
        wid = cid * NS + sid
        base_c = wid * N_CHUNKS
        n_iter = N_CHUNKS // 2

        r0 = sid * ROWS_PER_SUB
        pltpu.sync_copy(z_hbm.at[pl.ds(r0, ROWS_PER_SUB)],
                        accum.at[pl.ds(r0, ROWS_PER_SUB)])

        @pl.when(sid == 0)
        def _():
            pltpu.sync_copy(z_hbm.at[pl.ds(NS * ROWS_PER_SUB, ROWS_TAIL)],
                            accum.at[pl.ds(NS * ROWS_PER_SUB, ROWS_TAIL)])

        plsc.subcore_barrier()

        rows_a = rows.at[0]
        rows_b = rows.at[1]

        pltpu.sync_copy(ei_hbm.at[base_c], idx_a)
        pltpu.async_copy(h_hbm.at[idx_a.at[0]], rows_a, sem_a)
        pltpu.sync_copy(ei_hbm.at[base_c + 1], idx_b)
        pltpu.async_copy(h_hbm.at[idx_b.at[0]], rows_b, sem_b)

        @pl.loop(0, n_iter)
        def _(j):
            i0 = base_c + 2 * j
            pltpu.make_async_copy(h_hbm.at[idx_a.at[0]], rows_a, sem_a).wait()
            pltpu.sync_copy(rows_a, accum.at[idx_a.at[1]], add=True)

            @pl.when(j < n_iter - 1)
            def _():
                pltpu.sync_copy(ei_hbm.at[i0 + 2], idx_a)
                pltpu.async_copy(h_hbm.at[idx_a.at[0]], rows_a, sem_a)

            pltpu.make_async_copy(h_hbm.at[idx_b.at[0]], rows_b, sem_b).wait()
            pltpu.sync_copy(rows_b, accum.at[idx_b.at[1]], add=True)

            @pl.when(j < n_iter - 1)
            def _():
                pltpu.sync_copy(ei_hbm.at[i0 + 3], idx_b)
                pltpu.async_copy(h_hbm.at[idx_b.at[0]], rows_b, sem_b)

        plsc.subcore_barrier()
        pltpu.sync_copy(accum.at[pl.ds(r0, ROWS_PER_SUB)],
                        out_hbm.at[cid, pl.ds(r0, ROWS_PER_SUB)])

        @pl.when(sid == 0)
        def _():
            pltpu.sync_copy(accum.at[pl.ds(NS * ROWS_PER_SUB, ROWS_TAIL)],
                            out_hbm.at[cid, pl.ds(NS * ROWS_PER_SUB,
                                                  ROWS_TAIL)])

    return seg_sum(h, ei, zeros)


def _out_body(s_ref, a_ref, x_ref, wh_ref, bh_ref,
              w1_ref, b1_ref, w2_ref, b2_ref, o_ref):
    t = s_ref[...] + a_ref[0] + a_ref[1]
    t = _dot_t(t, wh_ref[...]) + bh_ref[...] + x_ref[...]
    t = _dot_t(t, w1_ref[...]) + b1_ref[...]
    o_ref[...] = _dot_t(t, w2_ref[...]) + b2_ref[...]


def _compute_out(s, aggr, x, Wh, bh, W1, b1, W2, b2):
    grid = (N // ROW_BLK,)
    row_spec = pl.BlockSpec((ROW_BLK, D), lambda i: (i, 0))
    a_spec = pl.BlockSpec((NC, ROW_BLK, D), lambda i: (0, i, 0))
    wdd_spec = pl.BlockSpec((D, D), lambda i: (0, 0))
    bd_spec = pl.BlockSpec((1, D), lambda i: (0, 0))
    w1_spec = pl.BlockSpec((2 * D, D), lambda i: (0, 0))
    b1_spec = pl.BlockSpec((1, 2 * D), lambda i: (0, 0))
    w2_spec = pl.BlockSpec((D, 2 * D), lambda i: (0, 0))
    return pl.pallas_call(
        _out_body,
        grid=grid,
        in_specs=[row_spec, a_spec, row_spec,
                  wdd_spec, bd_spec, w1_spec, b1_spec, w2_spec, bd_spec],
        out_specs=row_spec,
        out_shape=jax.ShapeDtypeStruct((N, D), jnp.float32),
    )(s, aggr, x, Wh, bh, W1, b1, W2, b2)


def kernel(x, edge_index, prompt, Wq, bq, Wk, bk, Wv, bv, Wh, bh,
           W1, b1, W2, b2):
    ei_p = _prep_edges(edge_index)
    h, s, zeros = _compute_h(x, prompt, Wq, bq.reshape(1, D),
                             Wk, bk.reshape(1, D), Wv, bv.reshape(1, D))
    aggr = _sc_seg_sum(h, ei_p, zeros)
    out = _compute_out(s, aggr, x, Wh, bh.reshape(1, D),
                       W1, b1.reshape(1, 2 * D), W2, b2.reshape(1, D))
    return out

# --- scband reference (transcript-rebuilt; emitter-appended) ---
"""Pipeline reference for scband-cross-attention-add-19507741458638 (READ-ONLY COPY).

The authoritative reference and input builder live on the scoring server;
editing this copy changes nothing except your own understanding.
"""

import jax, jax.numpy as jnp
import numpy as np

N = 10000
E = 320000
D = 128

def _xavier(key, fan_out, fan_in):
    std = float(np.sqrt(2.0 / (fan_in + fan_out)))
    return jax.random.normal(key, (fan_out, fan_in), dtype=jnp.float32) * std

def setup_inputs(seed: int = 0) -> dict:
    key = jax.random.key(seed)
    ks = jax.random.split(key, 20)
    x = jax.random.normal(ks[0], (N, D), dtype=jnp.float32)
    prompt = jax.random.normal(ks[1], (N, D), dtype=jnp.float32)
    edge_index = jax.random.randint(ks[2], (2, E), 0, N, dtype=jnp.int32)
    Wq = _xavier(ks[3], D, D); bq = jnp.zeros((D,), jnp.float32)
    Wk = _xavier(ks[4], D, D); bk = jnp.zeros((D,), jnp.float32)
    Wv = _xavier(ks[5], D, D); bv = jnp.zeros((D,), jnp.float32)
    Wh = _xavier(ks[6], D, D); bh = jnp.zeros((D,), jnp.float32)
    W1 = _xavier(ks[7], 2 * D, D); b1 = jnp.zeros((2 * D,), jnp.float32)
    W2 = _xavier(ks[8], D, 2 * D); b2 = jnp.zeros((D,), jnp.float32)
    return {"x": x, "edge_index": edge_index, "prompt": prompt,
            "Wq": Wq, "bq": bq, "Wk": Wk, "bk": bk, "Wv": Wv, "bv": bv,
            "Wh": Wh, "bh": bh, "W1": W1, "b1": b1, "W2": W2, "b2": b2}

def reference(x, edge_index, prompt, Wq, bq, Wk, bk, Wv, bv, Wh, bh, W1, b1, W2, b2):
    # condition='masked_graph' with prompt_e=None, edge_enhance=False,
    # act=Identity, dropout=0.0 (eval), attn_product='mul'
    Q = x @ Wq.T + bq
    K = prompt @ Wk.T + bk
    V = prompt @ Wv.T + bv
    h = Q * K
    # score_act with Identity act -> no-op
    src = jnp.take(h, edge_index[0], axis=0)
    msg = src
    aggr = jax.ops.segment_sum(msg, edge_index[1], num_segments=x.shape[0])
    h_out = (h + V + aggr) @ Wh.T + bh
    # in_dim == out_dim -> residual
    h_out = h_out + x
    h_out = h_out @ W1.T + b1
    h_out = h_out @ W2.T + b2
    return h_out

if __name__ == "__main__":
    import jax
    _d = setup_inputs()
    print(jax.jit(kernel)(*tuple(_d.values())))

</pallas_src>

<mosaic_0001>
#map = affine_map<(d0, d1) -> (0, 0)>
#map1 = affine_map<(d0, d1) -> (0, 0, 0)>
module attributes {stable_mosaic.version = 14 : i64} {
  func.func @seg_sum(%arg0: i32, %arg1: i32, %arg2: memref<10000x128xf32, #tpu.memory_space<hbm>>, %arg3: memref<2560x2x128xi32, #tpu.memory_space<hbm>>, %arg4: memref<10000x128xf32, #tpu.memory_space<hbm>>, %arg5: memref<2x10000x128xf32, #tpu.memory_space<hbm>>, %arg6: memref<2x128xi32, #tpu.memory_space<vmem>>, %arg7: memref<2x128xi32, #tpu.memory_space<vmem>>, %arg8: memref<2x128x128xf32, #tpu.memory_space<vmem>>, %arg9: memref<10512x128xf32, #tpu.memory_space<vmem_shared>>, %arg10: memref<!tpu.dma_semaphore, #tpu.memory_space<semaphore_mem>>, %arg11: memref<!tpu.dma_semaphore, #tpu.memory_space<semaphore_mem>>) attributes {dimension_semantics = [#tpu.dimension_semantics<core_parallel>, #tpu.dimension_semantics<subcore_parallel>], iteration_bounds = array<i64: 2, 16>, scalar_prefetch = 0 : i64, scratch_operands = 6 : i64, tpu.core_type = #tpu.core_type<sc_vector_subcore>, window_params = [{transform_indices = #map}, {transform_indices = #map1}, {transform_indices = #map}, {transform_indices = #map1}]} {
    %mul3A = arith.constant 16 : i32
    %mul3A_0 = arith.muli %arg0, %mul3A : i32
    %add3A = arith.addi %mul3A_0, %arg1 : i32
    %mul3A_1 = arith.constant 80 : i32
    %mul3A_2 = arith.muli %add3A, %mul3A_1 : i32
    %mul3A_3 = arith.constant 624 : i32
    %mul3A_4 = arith.muli %arg1, %mul3A_3 : i32
    "tpu.region"() ({
      %run_scoped3A = tpu.sem_alloc : memref<!tpu.dma_semaphore, #tpu.memory_space<semaphore_mem>>
      %dma_start3A_44 = arith.constant 0 : i32
      %dma_start3A_45 = tpu.memref_slice %arg9[%mul3A_4, %dma_start3A_44] : memref<10512x128xf32, #tpu.memory_space<vmem_shared>> -> memref<624x128xf32, #tpu.memory_space<vmem_shared>>
      %dma_start3A_46 = arith.constant 0 : i32
      %dma_start3A_47 = tpu.memref_slice %arg4[%mul3A_4, %dma_start3A_46] : memref<10000x128xf32, #tpu.memory_space<hbm>> -> memref<624x128xf32, #tpu.memory_space<hbm>>
      tpu.enqueue_dma source(%dma_start3A_47 : memref<624x128xf32, #tpu.memory_space<hbm>>) target(%dma_start3A_45 : memref<624x128xf32, #tpu.memory_space<vmem_shared>>) target_semaphore(%run_scoped3A : memref<!tpu.dma_semaphore, #tpu.memory_space<semaphore_mem>>)
      %dma_wait3A = arith.constant 0 : i32
      %dma_wait3A_48 = tpu.memref_slice %arg9[%mul3A_4, %dma_wait3A] : memref<10512x128xf32, #tpu.memory_space<vmem_shared>> -> memref<624x128xf32, #tpu.memory_space<vmem_shared>>
      %dma_wait3A_49 = arith.constant 0 : i32
      %dma_wait3A_50 = tpu.memref_slice %arg4[%mul3A_4, %dma_wait3A_49] : memref<10000x128xf32, #tpu.memory_space<hbm>> -> memref<624x128xf32, #tpu.memory_space<hbm>>
      tpu.wait_dma2 semaphore(%run_scoped3A : memref<!tpu.dma_semaphore, #tpu.memory_space<semaphore_mem>>) src(%dma_wait3A_50 : memref<624x128xf32, #tpu.memory_space<hbm>>) dst(%dma_wait3A_48 : memref<624x128xf32, #tpu.memory_space<vmem_shared>>)
      tpu.yield
    }) : () -> ()
    %eq3A = arith.constant 0 : i32
    %eq3A_5 = arith.cmpi eq, %arg1, %eq3A : i32
    %convert_element_type3A = arith.extui %eq3A_5 : i1 to i32
    %cond3A = arith.constant 0 : i32
    %cond3A_6 = arith.cmpi ne, %convert_element_type3A, %cond3A : i32
    scf.if %cond3A_6 {
      "tpu.region"() ({
        %run_scoped3A = tpu.sem_alloc : memref<!tpu.dma_semaphore, #tpu.memory_space<semaphore_mem>>
        %dma_start3A_44 = arith.constant 9984 : i32
        %dma_start3A_45 = arith.constant 0 : i32
        %dma_start3A_46 = tpu.memref_slice %arg9[%dma_start3A_44, %dma_start3A_45] : memref<10512x128xf32, #tpu.memory_space<vmem_shared>> -> memref<16x128xf32, #tpu.memory_space<vmem_shared>>
        %dma_start3A_47 = arith.constant 9984 : i32
        %dma_start3A_48 = arith.constant 0 : i32
        %dma_start3A_49 = tpu.memref_slice %arg4[%dma_start3A_47, %dma_start3A_48] : memref<10000x128xf32, #tpu.memory_space<hbm>> -> memref<16x128xf32, #tpu.memory_space<hbm>>
        tpu.enqueue_dma source(%dma_start3A_49 : memref<16x128xf32, #tpu.memory_space<hbm>>) target(%dma_start3A_46 : memref<16x128xf32, #tpu.memory_space<vmem_shared>>) target_semaphore(%run_scoped3A : memref<!tpu.dma_semaphore, #tpu.memory_space<semaphore_mem>>)
        %dma_wait3A = arith.constant 9984 : i32
        %dma_wait3A_50 = arith.constant 0 : i32
        %dma_wait3A_51 = tpu.memref_slice %arg9[%dma_wait3A, %dma_wait3A_50] : memref<10512x128xf32, #tpu.memory_space<vmem_shared>> -> memref<16x128xf32, #tpu.memory_space<vmem_shared>>
        %dma_wait3A_52 = arith.constant 9984 : i32
        %dma_wait3A_53 = arith.constant 0 : i32
        %dma_wait3A_54 = tpu.memref_slice %arg4[%dma_wait3A_52, %dma_wait3A_53] : memref<10000x128xf32, #tpu.memory_space<hbm>> -> memref<16x128xf32, #tpu.memory_space<hbm>>
        tpu.wait_dma2 semaphore(%run_scoped3A : memref<!tpu.dma_semaphore, #tpu.memory_space<semaphore_mem>>) src(%dma_wait3A_54 : memref<16x128xf32, #tpu.memory_space<hbm>>) dst(%dma_wait3A_51 : memref<16x128xf32, #tpu.memory_space<vmem_shared>>)
        tpu.yield
      }) : () -> ()
    } else {
    }
    %barrier3A = arith.constant 0 : index
    tpu.barrier barrier_id(%barrier3A)
    "tpu.region"() ({
      %run_scoped3A = tpu.sem_alloc : memref<!tpu.dma_semaphore, #tpu.memory_space<semaphore_mem>>
      %dma_start3A_44 = arith.constant 0 : i32
      %dma_start3A_45 = arith.constant 0 : i32
      %dma_start3A_46 = tpu.memref_slice %arg3[%mul3A_2, %dma_start3A_44, %dma_start3A_45] : memref<2560x2x128xi32, #tpu.memory_space<hbm>> -> memref<1x2x128xi32, #tpu.memory_space<hbm>>
      %dma_start3A_47 = tpu.memref_squeeze %dma_start3A_46 : memref<1x2x128xi32, #tpu.memory_space<hbm>> -> memref<2x128xi32, #tpu.memory_space<hbm>>
      %dma_start3A_48 = arith.constant 0 : i32
      %dma_start3A_49 = arith.constant 0 : i32
      %dma_start3A_50 = tpu.memref_slice %arg3[%mul3A_2, %dma_start3A_48, %dma_start3A_49] : memref<2560x2x128xi32, #tpu.memory_space<hbm>> -> memref<1x2x128xi32, #tpu.memory_space<hbm>>
      %dma_start3A_51 = tpu.memref_squeeze %dma_start3A_50 : memref<1x2x128xi32, #tpu.memory_space<hbm>> -> memref<2x128xi32, #tpu.memory_space<hbm>>
      tpu.enqueue_dma source(%dma_start3A_51 : memref<2x128xi32, #tpu.memory_space<hbm>>) target(%arg6 : memref<2x128xi32, #tpu.memory_space<vmem>>) target_semaphore(%run_scoped3A : memref<!tpu.dma_semaphore, #tpu.memory_space<semaphore_mem>>)
      %dma_wait3A = arith.constant 0 : i32
      %dma_wait3A_52 = arith.constant 0 : i32
      %dma_wait3A_53 = tpu.memref_slice %arg3[%mul3A_2, %dma_wait3A, %dma_wait3A_52] : memref<2560x2x128xi32, #tpu.memory_space<hbm>> -> memref<1x2x128xi32, #tpu.memory_space<hbm>>
      %dma_wait3A_54 = tpu.memref_squeeze %dma_wait3A_53 : memref<1x2x128xi32, #tpu.memory_space<hbm>> -> memref<2x128xi32, #tpu.memory_space<hbm>>
      %dma_wait3A_55 = arith.constant 0 : i32
      %dma_wait3A_56 = arith.constant 0 : i32
      %dma_wait3A_57 = tpu.memref_slice %arg3[%mul3A_2, %dma_wait3A_55, %dma_wait3A_56] : memref<2560x2x128xi32, #tpu.memory_space<hbm>> -> memref<1x2x128xi32, #tpu.memory_space<hbm>>
      %dma_wait3A_58 = tpu.memref_squeeze %dma_wait3A_57 : memref<1x2x128xi32, #tpu.memory_space<hbm>> -> memref<2x128xi32, #tpu.memory_space<hbm>>
      tpu.wait_dma2 semaphore(%run_scoped3A : memref<!tpu.dma_semaphore, #tpu.memory_space<semaphore_mem>>) src(%dma_wait3A_58 : memref<2x128xi32, #tpu.memory_space<hbm>>) dst(%arg6 : memref<2x128xi32, #tpu.memory_space<vmem>>)
      tpu.yield
    }) : () -> ()
    %dma_start3A = arith.constant 0 : i32
    %dma_start3A_7 = arith.constant 0 : i32
    %dma_start3A_8 = arith.constant 0 : i32
    %dma_start3A_9 = arith.constant 0 : i32
    %dma_start3A_10 = tpu.memref_slice %arg8[%dma_start3A_7, %dma_start3A_8, %dma_start3A_9] : memref<2x128x128xf32, #tpu.memory_space<vmem>> -> memref<1x128x128xf32, #tpu.memory_space<vmem>>
    %dma_start3A_11 = tpu.memref_squeeze %dma_start3A_10 : memref<1x128x128xf32, #tpu.memory_space<vmem>> -> memref<128x128xf32, #tpu.memory_space<vmem>>
    %dma_start3A_12 = arith.constant 0 : i32
    %dma_start3A_13 = tpu.memref_slice %arg6[%dma_start3A, %dma_start3A_12] : memref<2x128xi32, #tpu.memory_space<vmem>> -> memref<1x128xi32, #tpu.memory_space<vmem>>
    %dma_start3A_14 = tpu.memref_squeeze %dma_start3A_13 : memref<1x128xi32, #tpu.memory_space<vmem>> -> memref<128xi32, #tpu.memory_space<vmem>>
    %dma_start3A_15 = arith.constant 0 : i32
    %dma_start3A_16 = arith.constant 0 : i32
    %dma_start3A_17 = tpu.memref_slice %arg2[%dma_start3A_15, %dma_start3A_16] : memref<10000x128xf32, #tpu.memory_space<hbm>> -> memref<10000x128xf32, #tpu.memory_space<hbm>>
    tpu.enqueue_indirect_dma source(%dma_start3A_17 : memref<10000x128xf32, #tpu.memory_space<hbm>>) target(%dma_start3A_11 : memref<128x128xf32, #tpu.memory_space<vmem>>) offsets(%dma_start3A_14 : memref<128xi32, #tpu.memory_space<vmem>>) semaphore(%arg10 : memref<!tpu.dma_semaphore, #tpu.memory_space<semaphore_mem>>)
    %add3A_18 = arith.constant 1 : i32
    %add3A_19 = arith.addi %mul3A_2, %add3A_18 : i32
    "tpu.region"() ({
      %run_scoped3A = tpu.sem_alloc : memref<!tpu.dma_semaphore, #tpu.memory_space<semaphore_mem>>
      %dma_start3A_44 = arith.constant 0 : i32
      %dma_start3A_45 = arith.constant 0 : i32
      %dma_start3A_46 = tpu.memref_slice %arg3[%add3A_19, %dma_start3A_44, %dma_start3A_45] : memref<2560x2x128xi32, #tpu.memory_space<hbm>> -> memref<1x2x128xi32, #tpu.memory_space<hbm>>
      %dma_start3A_47 = tpu.memref_squeeze %dma_start3A_46 : memref<1x2x128xi32, #tpu.memory_space<hbm>> -> memref<2x128xi32, #tpu.memory_space<hbm>>
      %dma_start3A_48 = arith.constant 0 : i32
      %dma_start3A_49 = arith.constant 0 : i32
      %dma_start3A_50 = tpu.memref_slice %arg3[%add3A_19, %dma_start3A_48, %dma_start3A_49] : memref<2560x2x128xi32, #tpu.memory_space<hbm>> -> memref<1x2x128xi32, #tpu.memory_space<hbm>>
      %dma_start3A_51 = tpu.memref_squeeze %dma_start3A_50 : memref<1x2x128xi32, #tpu.memory_space<hbm>> -> memref<2x128xi32, #tpu.memory_space<hbm>>
      tpu.enqueue_dma source(%dma_start3A_51 : memref<2x128xi32, #tpu.memory_space<hbm>>) target(%arg7 : memref<2x128xi32, #tpu.memory_space<vmem>>) target_semaphore(%run_scoped3A : memref<!tpu.dma_semaphore, #tpu.memory_space<semaphore_mem>>)
      %dma_wait3A = arith.constant 0 : i32
      %dma_wait3A_52 = arith.constant 0 : i32
      %dma_wait3A_53 = tpu.memref_slice %arg3[%add3A_19, %dma_wait3A, %dma_wait3A_52] : memref<2560x2x128xi32, #tpu.memory_space<hbm>> -> memref<1x2x128xi32, #tpu.memory_space<hbm>>
      %dma_wait3A_54 = tpu.memref_squeeze %dma_wait3A_53 : memref<1x2x128xi32, #tpu.memory_space<hbm>> -> memref<2x128xi32, #tpu.memory_space<hbm>>
      %dma_wait3A_55 = arith.constant 0 : i32
      %dma_wait3A_56 = arith.constant 0 : i32
      %dma_wait3A_57 = tpu.memref_slice %arg3[%add3A_19, %dma_wait3A_55, %dma_wait3A_56] : memref<2560x2x128xi32, #tpu.memory_space<hbm>> -> memref<1x2x128xi32, #tpu.memory_space<hbm>>
      %dma_wait3A_58 = tpu.memref_squeeze %dma_wait3A_57 : memref<1x2x128xi32, #tpu.memory_space<hbm>> -> memref<2x128xi32, #tpu.memory_space<hbm>>
      tpu.wait_dma2 semaphore(%run_scoped3A : memref<!tpu.dma_semaphore, #tpu.memory_space<semaphore_mem>>) src(%dma_wait3A_58 : memref<2x128xi32, #tpu.memory_space<hbm>>) dst(%arg7 : memref<2x128xi32, #tpu.memory_space<vmem>>)
      tpu.yield
    }) : () -> ()
    %dma_start3A_20 = arith.constant 0 : i32
    %dma_start3A_21 = arith.constant 1 : i32
    %dma_start3A_22 = arith.constant 0 : i32
    %dma_start3A_23 = arith.constant 0 : i32
    %dma_start3A_24 = tpu.memref_slice %arg8[%dma_start3A_21, %dma_start3A_22, %dma_start3A_23] : memref<2x128x128xf32, #tpu.memory_space<vmem>> -> memref<1x128x128xf32, #tpu.memory_space<vmem>>
    %dma_start3A_25 = tpu.memref_squeeze %dma_start3A_24 : memref<1x128x128xf32, #tpu.memory_space<vmem>> -> memref<128x128xf32, #tpu.memory_space<vmem>>
    %dma_start3A_26 = arith.constant 0 : i32
    %dma_start3A_27 = tpu.memref_slice %arg7[%dma_start3A_20, %dma_start3A_26] : memref<2x128xi32, #tpu.memory_space<vmem>> -> memref<1x128xi32, #tpu.memory_space<vmem>>
    %dma_start3A_28 = tpu.memref_squeeze %dma_start3A_27 : memref<1x128xi32, #tpu.memory_space<vmem>> -> memref<128xi32, #tpu.memory_space<vmem>>
    %dma_start3A_29 = arith.constant 0 : i32
    %dma_start3A_30 = arith.constant 0 : i32
    %dma_start3A_31 = tpu.memref_slice %arg2[%dma_start3A_29, %dma_start3A_30] : memref<10000x128xf32, #tpu.memory_space<hbm>> -> memref<10000x128xf32, #tpu.memory_space<hbm>>
    tpu.enqueue_indirect_dma source(%dma_start3A_31 : memref<10000x128xf32, #tpu.memory_space<hbm>>) target(%dma_start3A_25 : memref<128x128xf32, #tpu.memory_space<vmem>>) offsets(%dma_start3A_28 : memref<128xi32, #tpu.memory_space<vmem>>) semaphore(%arg11 : memref<!tpu.dma_semaphore, #tpu.memory_space<semaphore_mem>>)
    %scan3A = arith.constant 0 : i32
    %scan3A_32 = arith.constant 1 : i32
    %scan3A_33 = arith.constant 0 : i32
    %scan3A_34 = arith.constant 40 : i32
    %scan3A_35 = arith.addi %scan3A_33, %scan3A_34 : i32
    %scan3A_36 = arith.constant 1 : i32
    scf.for %scan3A_44 = %scan3A_33 to %scan3A_35 step %scan3A_36  : i32 {
      %mul3A_45 = arith.constant 1 : i32
      %mul3A_46 = arith.muli %scan3A_44, %mul3A_45 : i32
      %add3A_47 = arith.constant 0 : i32
      %add3A_48 = arith.addi %add3A_47, %mul3A_46 : i32
      %mul3A_49 = arith.constant 2 : i32
      %mul3A_50 = arith.muli %mul3A_49, %add3A_48 : i32
      %add3A_51 = arith.addi %mul3A_2, %mul3A_50 : i32
      %dma_wait3A = arith.constant 0 : i32
      %dma_wait3A_52 = arith.constant 0 : i32
      %dma_wait3A_53 = arith.constant 0 : i32
      %dma_wait3A_54 = tpu.memref_slice %arg8[%scan3A, %dma_wait3A_52, %dma_wait3A_53] : memref<2x128x128xf32, #tpu.memory_space<vmem>> -> memref<1x128x128xf32, #tpu.memory_space<vmem>>
      %dma_wait3A_55 = tpu.memref_squeeze %dma_wait3A_54 : memref<1x128x128xf32, #tpu.memory_space<vmem>> -> memref<128x128xf32, #tpu.memory_space<vmem>>
      %dma_wait3A_56 = arith.constant 0 : i32
      %dma_wait3A_57 = tpu.memref_slice %arg6[%dma_wait3A, %dma_wait3A_56] : memref<2x128xi32, #tpu.memory_space<vmem>> -> memref<1x128xi32, #tpu.memory_space<vmem>>
      %dma_wait3A_58 = tpu.memref_squeeze %dma_wait3A_57 : memref<1x128xi32, #tpu.memory_space<vmem>> -> memref<128xi32, #tpu.memory_space<vmem>>
      %dma_wait3A_59 = arith.constant 0 : i32
      %dma_wait3A_60 = arith.constant 0 : i32
      %dma_wait3A_61 = tpu.memref_slice %arg2[%dma_wait3A_59, %dma_wait3A_60] : memref<10000x128xf32, #tpu.memory_space<hbm>> -> memref<10000x128xf32, #tpu.memory_space<hbm>>
      tpu.wait_indirect_dma semaphore(%arg10 : memref<!tpu.dma_semaphore, #tpu.memory_space<semaphore_mem>>) src(%dma_wait3A_61 : memref<10000x128xf32, #tpu.memory_space<hbm>>) dst(%dma_wait3A_55 : memref<128x128xf32, #tpu.memory_space<vmem>>)
      %run_scoped3A = arith.constant 1 : i32
      "tpu.region"() ({
        %run_scoped3A_83 = tpu.sem_alloc : memref<!tpu.dma_semaphore, #tpu.memory_space<semaphore_mem>>
        %dma_start3A_84 = arith.constant 0 : i32
        %dma_start3A_85 = arith.constant 0 : i32
        %dma_start3A_86 = tpu.memref_slice %arg8[%scan3A, %dma_start3A_84, %dma_start3A_85] : memref<2x128x128xf32, #tpu.memory_space<vmem>> -> memref<1x128x128xf32, #tpu.memory_space<vmem>>
        %dma_start3A_87 = tpu.memref_squeeze %dma_start3A_86 : memref<1x128x128xf32, #tpu.memory_space<vmem>> -> memref<128x128xf32, #tpu.memory_space<vmem>>
        %dma_start3A_88 = arith.constant 0 : i32
        %dma_start3A_89 = tpu.memref_slice %arg6[%run_scoped3A, %dma_start3A_88] : memref<2x128xi32, #tpu.memory_space<vmem>> -> memref<1x128xi32, #tpu.memory_space<vmem>>
        %dma_start3A_90 = tpu.memref_squeeze %dma_start3A_89 : memref<1x128xi32, #tpu.memory_space<vmem>> -> memref<128xi32, #tpu.memory_space<vmem>>
        %dma_start3A_91 = arith.constant 0 : i32
        %dma_start3A_92 = arith.constant 0 : i32
        %dma_start3A_93 = tpu.memref_slice %arg9[%dma_start3A_91, %dma_start3A_92] : memref<10512x128xf32, #tpu.memory_space<vmem_shared>> -> memref<10512x128xf32, #tpu.memory_space<vmem_shared>>
        tpu.enqueue_indirect_dma source(%dma_start3A_87 : memref<128x128xf32, #tpu.memory_space<vmem>>) target(%dma_start3A_93 : memref<10512x128xf32, #tpu.memory_space<vmem_shared>>) offsets(%dma_start3A_90 : memref<128xi32, #tpu.memory_space<vmem>>) semaphore(%run_scoped3A_83 : memref<!tpu.dma_semaphore, #tpu.memory_space<semaphore_mem>>) {add = true}
        %dma_wait3A_94 = arith.constant 0 : i32
        %dma_wait3A_95 = arith.constant 0 : i32
        %dma_wait3A_96 = tpu.memref_slice %arg8[%scan3A, %dma_wait3A_94, %dma_wait3A_95] : memref<2x128x128xf32, #tpu.memory_space<vmem>> -> memref<1x128x128xf32, #tpu.memory_space<vmem>>
        %dma_wait3A_97 = tpu.memref_squeeze %dma_wait3A_96 : memref<1x128x128xf32, #tpu.memory_space<vmem>> -> memref<128x128xf32, #tpu.memory_space<vmem>>
        %dma_wait3A_98 = arith.constant 0 : i32
        %dma_wait3A_99 = tpu.memref_slice %arg6[%run_scoped3A, %dma_wait3A_98] : memref<2x128xi32, #tpu.memory_space<vmem>> -> memref<1x128xi32, #tpu.memory_space<vmem>>
        %dma_wait3A_100 = tpu.memref_squeeze %dma_wait3A_99 : memref<1x128xi32, #tpu.memory_space<vmem>> -> memref<128xi32, #tpu.memory_space<vmem>>
        %dma_wait3A_101 = arith.constant 0 : i32
        %dma_wait3A_102 = arith.constant 0 : i32
        %dma_wait3A_103 = tpu.memref_slice %arg9[%dma_wait3A_101, %dma_wait3A_102] : memref<10512x128xf32, #tpu.memory_space<vmem_shared>> -> memref<10512x128xf32, #tpu.memory_space<vmem_shared>>
        tpu.wait_indirect_dma semaphore(%run_scoped3A_83 : memref<!tpu.dma_semaphore, #tpu.memory_space<semaphore_mem>>) src(%dma_wait3A_97 : memref<128x128xf32, #tpu.memory_space<vmem>>) dst(%dma_wait3A_103 : memref<10512x128xf32, #tpu.memory_space<vmem_shared>>)
        tpu.yield
      }) : () -> ()
      %lt3A = arith.constant 39 : i32
      %lt3A_62 = arith.cmpi slt, %add3A_48, %lt3A : i32
      %convert_element_type3A_63 = arith.extui %lt3A_62 : i1 to i32
      %cond3A_64 = arith.constant 0 : i32
      %cond3A_65 = arith.cmpi ne, %convert_element_type3A_63, %cond3A_64 : i32
      scf.if %cond3A_65 {
        %add3A_83 = arith.constant 2 : i32
        %add3A_84 = arith.addi %add3A_51, %add3A_83 : i32
        "tpu.region"() ({
          %run_scoped3A_96 = tpu.sem_alloc : memref<!tpu.dma_semaphore, #tpu.memory_space<semaphore_mem>>
          %dma_start3A_97 = arith.constant 0 : i32
          %dma_start3A_98 = arith.constant 0 : i32
          %dma_start3A_99 = tpu.memref_slice %arg3[%add3A_84, %dma_start3A_97, %dma_start3A_98] : memref<2560x2x128xi32, #tpu.memory_space<hbm>> -> memref<1x2x128xi32, #tpu.memory_space<hbm>>
          %dma_start3A_100 = tpu.memref_squeeze %dma_start3A_99 : memref<1x2x128xi32, #tpu.memory_space<hbm>> -> memref<2x128xi32, #tpu.memory_space<hbm>>
          %dma_start3A_101 = arith.constant 0 : i32
          %dma_start3A_102 = arith.constant 0 : i32
          %dma_start3A_103 = tpu.memref_slice %arg3[%add3A_84, %dma_start3A_101, %dma_start3A_102] : memref<2560x2x128xi32, #tpu.memory_space<hbm>> -> memref<1x2x128xi32, #tpu.memory_space<hbm>>
          %dma_start3A_104 = tpu.memref_squeeze %dma_start3A_103 : memref<1x2x128xi32, #tpu.memory_space<hbm>> -> memref<2x128xi32, #tpu.memory_space<hbm>>
          tpu.enqueue_dma source(%dma_start3A_104 : memref<2x128xi32, #tpu.memory_space<hbm>>) target(%arg6 : memref<2x128xi32, #tpu.memory_space<vmem>>) target_semaphore(%run_scoped3A_96 : memref<!tpu.dma_semaphore, #tpu.memory_space<semaphore_mem>>)
          %dma_wait3A_105 = arith.constant 0 : i32
          %dma_wait3A_106 = arith.constant 0 : i32
          %dma_wait3A_107 = tpu.memref_slice %arg3[%add3A_84, %dma_wait3A_105, %dma_wait3A_106] : memref<2560x2x128xi32, #tpu.memory_space<hbm>> -> memref<1x2x128xi32, #tpu.memory_space<hbm>>
          %dma_wait3A_108 = tpu.memref_squeeze %dma_wait3A_107 : memref<1x2x128xi32, #tpu.memory_space<hbm>> -> memref<2x128xi32, #tpu.memory_space<hbm>>
          %dma_wait3A_109 = arith.constant 0 : i32
          %dma_wait3A_110 = arith.constant 0 : i32
          %dma_wait3A_111 = tpu.memref_slice %arg3[%add3A_84, %dma_wait3A_109, %dma_wait3A_110] : memref<2560x2x128xi32, #tpu.memory_space<hbm>> -> memref<1x2x128xi32, #tpu.memory_space<hbm>>
          %dma_wait3A_112 = tpu.memref_squeeze %dma_wait3A_111 : memref<1x2x128xi32, #tpu.memory_space<hbm>> -> memref<2x128xi32, #tpu.memory_space<hbm>>
          tpu.wait_dma2 semaphore(%run_scoped3A_96 : memref<!tpu.dma_semaphore, #tpu.memory_space<semaphore_mem>>) src(%dma_wait3A_112 : memref<2x128xi32, #tpu.memory_space<hbm>>) dst(%arg6 : memref<2x128xi32, #tpu.memory_space<vmem>>)
          tpu.yield
        }) : () -> ()
        %dma_start3A_85 = arith.constant 0 : i32
        %dma_start3A_86 = arith.constant 0 : i32
        %dma_start3A_87 = arith.constant 0 : i32
        %dma_start3A_88 = tpu.memref_slice %arg8[%scan3A, %dma_start3A_86, %dma_start3A_87] : memref<2x128x128xf32, #tpu.memory_space<vmem>> -> memref<1x128x128xf32, #tpu.memory_space<vmem>>
        %dma_start3A_89 = tpu.memref_squeeze %dma_start3A_88 : memref<1x128x128xf32, #tpu.memory_space<vmem>> -> memref<128x128xf32, #tpu.memory_space<vmem>>
        %dma_start3A_90 = arith.constant 0 : i32
        %dma_start3A_91 = tpu.memref_slice %arg6[%dma_start3A_85, %dma_start3A_90] : memref<2x128xi32, #tpu.memory_space<vmem>> -> memref<1x128xi32, #tpu.memory_space<vmem>>
        %dma_start3A_92 = tpu.memref_squeeze %dma_start3A_91 : memref<1x128xi32, #tpu.memory_space<vmem>> -> memref<128xi32, #tpu.memory_space<vmem>>
        %dma_start3A_93 = arith.constant 0 : i32
        %dma_start3A_94 = arith.constant 0 : i32
        %dma_start3A_95 = tpu.memref_slice %arg2[%dma_start3A_93, %dma_start3A_94] : memref<10000x128xf32, #tpu.memory_space<hbm>> -> memref<10000x128xf32, #tpu.memory_space<hbm>>
        tpu.enqueue_indirect_dma source(%dma_start3A_95 : memref<10000x128xf32, #tpu.memory_space<hbm>>) target(%dma_start3A_89 : memref<128x128xf32, #tpu.memory_space<vmem>>) offsets(%dma_start3A_92 : memref<128xi32, #tpu.memory_space<vmem>>) semaphore(%arg10 : memref<!tpu.dma_semaphore, #tpu.memory_space<semaphore_mem>>)
      } else {
      }
      %dma_wait3A_66 = arith.constant 0 : i32
      %dma_wait3A_67 = arith.constant 0 : i32
      %dma_wait3A_68 = arith.constant 0 : i32
      %dma_wait3A_69 = tpu.memref_slice %arg8[%scan3A_32, %dma_wait3A_67, %dma_wait3A_68] : memref<2x128x128xf32, #tpu.memory_space<vmem>> -> memref<1x128x128xf32, #tpu.memory_space<vmem>>
      %dma_wait3A_70 = tpu.memref_squeeze %dma_wait3A_69 : memref<1x128x128xf32, #tpu.memory_space<vmem>> -> memref<128x128xf32, #tpu.memory_space<vmem>>
      %dma_wait3A_71 = arith.constant 0 : i32
      %dma_wait3A_72 = tpu.memref_slice %arg7[%dma_wait3A_66, %dma_wait3A_71] : memref<2x128xi32, #tpu.memory_space<vmem>> -> memref<1x128xi32, #tpu.memory_space<vmem>>
      %dma_wait3A_73 = tpu.memref_squeeze %dma_wait3A_72 : memref<1x128xi32, #tpu.memory_space<vmem>> -> memref<128xi32, #tpu.memory_space<vmem>>
      %dma_wait3A_74 = arith.constant 0 : i32
      %dma_wait3A_75 = arith.constant 0 : i32
      %dma_wait3A_76 = tpu.memref_slice %arg2[%dma_wait3A_74, %dma_wait3A_75] : memref<10000x128xf32, #tpu.memory_space<hbm>> -> memref<10000x128xf32, #tpu.memory_space<hbm>>
      tpu.wait_indirect_dma semaphore(%arg11 : memref<!tpu.dma_semaphore, #tpu.memory_space<semaphore_mem>>) src(%dma_wait3A_76 : memref<10000x128xf32, #tpu.memory_space<hbm>>) dst(%dma_wait3A_70 : memref<128x128xf32, #tpu.memory_space<vmem>>)
      %run_scoped3A_77 = arith.constant 1 : i32
      "tpu.region"() ({
        %run_scoped3A_83 = tpu.sem_alloc : memref<!tpu.dma_semaphore, #tpu.memory_space<semaphore_mem>>
        %dma_start3A_84 = arith.constant 0 : i32
        %dma_start3A_85 = arith.constant 0 : i32
        %dma_start3A_86 = tpu.memref_slice %arg8[%scan3A_32, %dma_start3A_84, %dma_start3A_85] : memref<2x128x128xf32, #tpu.memory_space<vmem>> -> memref<1x128x128xf32, #tpu.memory_space<vmem>>
        %dma_start3A_87 = tpu.memref_squeeze %dma_start3A_86 : memref<1x128x128xf32, #tpu.memory_space<vmem>> -> memref<128x128xf32, #tpu.memory_space<vmem>>
        %dma_start3A_88 = arith.constant 0 : i32
        %dma_start3A_89 = tpu.memref_slice %arg7[%run_scoped3A_77, %dma_start3A_88] : memref<2x128xi32, #tpu.memory_space<vmem>> -> memref<1x128xi32, #tpu.memory_space<vmem>>
        %dma_start3A_90 = tpu.memref_squeeze %dma_start3A_89 : memref<1x128xi32, #tpu.memory_space<vmem>> -> memref<128xi32, #tpu.memory_space<vmem>>
        %dma_start3A_91 = arith.constant 0 : i32
        %dma_start3A_92 = arith.constant 0 : i32
        %dma_start3A_93 = tpu.memref_slice %arg9[%dma_start3A_91, %dma_start3A_92] : memref<10512x128xf32, #tpu.memory_space<vmem_shared>> -> memref<10512x128xf32, #tpu.memory_space<vmem_shared>>
        tpu.enqueue_indirect_dma source(%dma_start3A_87 : memref<128x128xf32, #tpu.memory_space<vmem>>) target(%dma_start3A_93 : memref<10512x128xf32, #tpu.memory_space<vmem_shared>>) offsets(%dma_start3A_90 : memref<128xi32, #tpu.memory_space<vmem>>) semaphore(%run_scoped3A_83 : memref<!tpu.dma_semaphore, #tpu.memory_space<semaphore_mem>>) {add = true}
        %dma_wait3A_94 = arith.constant 0 : i32
        %dma_wait3A_95 = arith.constant 0 : i32
        %dma_wait3A_96 = tpu.memref_slice %arg8[%scan3A_32, %dma_wait3A_94, %dma_wait3A_95] : memref<2x128x128xf32, #tpu.memory_space<vmem>> -> memref<1x128x128xf32, #tpu.memory_space<vmem>>
        %dma_wait3A_97 = tpu.memref_squeeze %dma_wait3A_96 : memref<1x128x128xf32, #tpu.memory_space<vmem>> -> memref<128x128xf32, #tpu.memory_space<vmem>>
        %dma_wait3A_98 = arith.constant 0 : i32
        %dma_wait3A_99 = tpu.memref_slice %arg7[%run_scoped3A_77, %dma_wait3A_98] : memref<2x128xi32, #tpu.memory_space<vmem>> -> memref<1x128xi32, #tpu.memory_space<vmem>>
        %dma_wait3A_100 = tpu.memref_squeeze %dma_wait3A_99 : memref<1x128xi32, #tpu.memory_space<vmem>> -> memref<128xi32, #tpu.memory_space<vmem>>
        %dma_wait3A_101 = arith.constant 0 : i32
        %dma_wait3A_102 = arith.constant 0 : i32
        %dma_wait3A_103 = tpu.memref_slice %arg9[%dma_wait3A_101, %dma_wait3A_102] : memref<10512x128xf32, #tpu.memory_space<vmem_shared>> -> memref<10512x128xf32, #tpu.memory_space<vmem_shared>>
        tpu.wait_indirect_dma semaphore(%run_scoped3A_83 : memref<!tpu.dma_semaphore, #tpu.memory_space<semaphore_mem>>) src(%dma_wait3A_97 : memref<128x128xf32, #tpu.memory_space<vmem>>) dst(%dma_wait3A_103 : memref<10512x128xf32, #tpu.memory_space<vmem_shared>>)
        tpu.yield
      }) : () -> ()
      %lt3A_78 = arith.constant 39 : i32
      %lt3A_79 = arith.cmpi slt, %add3A_48, %lt3A_78 : i32
      %convert_element_type3A_80 = arith.extui %lt3A_79 : i1 to i32
      %cond3A_81 = arith.constant 0 : i32
      %cond3A_82 = arith.cmpi ne, %convert_element_type3A_80, %cond3A_81 : i32
      scf.if %cond3A_82 {
        %add3A_83 = arith.constant 3 : i32
        %add3A_84 = arith.addi %add3A_51, %add3A_83 : i32
        "tpu.region"() ({
          %run_scoped3A_96 = tpu.sem_alloc : memref<!tpu.dma_semaphore, #tpu.memory_space<semaphore_mem>>
          %dma_start3A_97 = arith.constant 0 : i32
          %dma_start3A_98 = arith.constant 0 : i32
          %dma_start3A_99 = tpu.memref_slice %arg3[%add3A_84, %dma_start3A_97, %dma_start3A_98] : memref<2560x2x128xi32, #tpu.memory_space<hbm>> -> memref<1x2x128xi32, #tpu.memory_space<hbm>>
          %dma_start3A_100 = tpu.memref_squeeze %dma_start3A_99 : memref<1x2x128xi32, #tpu.memory_space<hbm>> -> memref<2x128xi32, #tpu.memory_space<hbm>>
          %dma_start3A_101 = arith.constant 0 : i32
          %dma_start3A_102 = arith.constant 0 : i32
          %dma_start3A_103 = tpu.memref_slice %arg3[%add3A_84, %dma_start3A_101, %dma_start3A_102] : memref<2560x2x128xi32, #tpu.memory_space<hbm>> -> memref<1x2x128xi32, #tpu.memory_space<hbm>>
          %dma_start3A_104 = tpu.memref_squeeze %dma_start3A_103 : memref<1x2x128xi32, #tpu.memory_space<hbm>> -> memref<2x128xi32, #tpu.memory_space<hbm>>
          tpu.enqueue_dma source(%dma_start3A_104 : memref<2x128xi32, #tpu.memory_space<hbm>>) target(%arg7 : memref<2x128xi32, #tpu.memory_space<vmem>>) target_semaphore(%run_scoped3A_96 : memref<!tpu.dma_semaphore, #tpu.memory_space<semaphore_mem>>)
          %dma_wait3A_105 = arith.constant 0 : i32
          %dma_wait3A_106 = arith.constant 0 : i32
          %dma_wait3A_107 = tpu.memref_slice %arg3[%add3A_84, %dma_wait3A_105, %dma_wait3A_106] : memref<2560x2x128xi32, #tpu.memory_space<hbm>> -> memref<1x2x128xi32, #tpu.memory_space<hbm>>
          %dma_wait3A_108 = tpu.memref_squeeze %dma_wait3A_107 : memref<1x2x128xi32, #tpu.memory_space<hbm>> -> memref<2x128xi32, #tpu.memory_space<hbm>>
          %dma_wait3A_109 = arith.constant 0 : i32
          %dma_wait3A_110 = arith.constant 0 : i32
          %dma_wait3A_111 = tpu.memref_slice %arg3[%add3A_84, %dma_wait3A_109, %dma_wait3A_110] : memref<2560x2x128xi32, #tpu.memory_space<hbm>> -> memref<1x2x128xi32, #tpu.memory_space<hbm>>
          %dma_wait3A_112 = tpu.memref_squeeze %dma_wait3A_111 : memref<1x2x128xi32, #tpu.memory_space<hbm>> -> memref<2x128xi32, #tpu.memory_space<hbm>>
          tpu.wait_dma2 semaphore(%run_scoped3A_96 : memref<!tpu.dma_semaphore, #tpu.memory_space<semaphore_mem>>) src(%dma_wait3A_112 : memref<2x128xi32, #tpu.memory_space<hbm>>) dst(%arg7 : memref<2x128xi32, #tpu.memory_space<vmem>>)
          tpu.yield
        }) : () -> ()
        %dma_start3A_85 = arith.constant 0 : i32
        %dma_start3A_86 = arith.constant 0 : i32
        %dma_start3A_87 = arith.constant 0 : i32
        %dma_start3A_88 = tpu.memref_slice %arg8[%scan3A_32, %dma_start3A_86, %dma_start3A_87] : memref<2x128x128xf32, #tpu.memory_space<vmem>> -> memref<1x128x128xf32, #tpu.memory_space<vmem>>
        %dma_start3A_89 = tpu.memref_squeeze %dma_start3A_88 : memref<1x128x128xf32, #tpu.memory_space<vmem>> -> memref<128x128xf32, #tpu.memory_space<vmem>>
        %dma_start3A_90 = arith.constant 0 : i32
        %dma_start3A_91 = tpu.memref_slice %arg7[%dma_start3A_85, %dma_start3A_90] : memref<2x128xi32, #tpu.memory_space<vmem>> -> memref<1x128xi32, #tpu.memory_space<vmem>>
        %dma_start3A_92 = tpu.memref_squeeze %dma_start3A_91 : memref<1x128xi32, #tpu.memory_space<vmem>> -> memref<128xi32, #tpu.memory_space<vmem>>
        %dma_start3A_93 = arith.constant 0 : i32
        %dma_start3A_94 = arith.constant 0 : i32
        %dma_start3A_95 = tpu.memref_slice %arg2[%dma_start3A_93, %dma_start3A_94] : memref<10000x128xf32, #tpu.memory_space<hbm>> -> memref<10000x128xf32, #tpu.memory_space<hbm>>
        tpu.enqueue_indirect_dma source(%dma_start3A_95 : memref<10000x128xf32, #tpu.memory_space<hbm>>) target(%dma_start3A_89 : memref<128x128xf32, #tpu.memory_space<vmem>>) offsets(%dma_start3A_92 : memref<128xi32, #tpu.memory_space<vmem>>) semaphore(%arg11 : memref<!tpu.dma_semaphore, #tpu.memory_space<semaphore_mem>>)
      } else {
      }
    }
    %scan3A_37 = arith.constant 40 : i32
    %barrier3A_38 = arith.constant 0 : index
    tpu.barrier barrier_id(%barrier3A_38)
    "tpu.region"() ({
      %run_scoped3A = tpu.sem_alloc : memref<!tpu.dma_semaphore, #tpu.memory_space<semaphore_mem>>
      %dma_start3A_44 = arith.constant 0 : i32
      %dma_start3A_45 = tpu.memref_slice %arg5[%arg0, %mul3A_4, %dma_start3A_44] : memref<2x10000x128xf32, #tpu.memory_space<hbm>> -> memref<1x624x128xf32, #tpu.memory_space<hbm>>
      %dma_start3A_46 = tpu.memref_squeeze %dma_start3A_45 : memref<1x624x128xf32, #tpu.memory_space<hbm>> -> memref<624x128xf32, #tpu.memory_space<hbm>>
      %dma_start3A_47 = arith.constant 0 : i32
      %dma_start3A_48 = tpu.memref_slice %arg9[%mul3A_4, %dma_start3A_47] : memref<10512x128xf32, #tpu.memory_space<vmem_shared>> -> memref<624x128xf32, #tpu.memory_space<vmem_shared>>
      tpu.enqueue_dma source(%dma_start3A_48 : memref<624x128xf32, #tpu.memory_space<vmem_shared>>) target(%dma_start3A_46 : memref<624x128xf32, #tpu.memory_space<hbm>>) target_semaphore(%run_scoped3A : memref<!tpu.dma_semaphore, #tpu.memory_space<semaphore_mem>>)
      %dma_wait3A = arith.constant 0 : i32
      %dma_wait3A_49 = tpu.memref_slice %arg5[%arg0, %mul3A_4, %dma_wait3A] : memref<2x10000x128xf32, #tpu.memory_space<hbm>> -> memref<1x624x128xf32, #tpu.memory_space<hbm>>
      %dma_wait3A_50 = tpu.memref_squeeze %dma_wait3A_49 : memref<1x624x128xf32, #tpu.memory_space<hbm>> -> memref<624x128xf32, #tpu.memory_space<hbm>>
      %dma_wait3A_51 = arith.constant 0 : i32
      %dma_wait3A_52 = tpu.memref_slice %arg9[%mul3A_4, %dma_wait3A_51] : memref<10512x128xf32, #tpu.memory_space<vmem_shared>> -> memref<624x128xf32, #tpu.memory_space<vmem_shared>>
      tpu.wait_dma2 semaphore(%run_scoped3A : memref<!tpu.dma_semaphore, #tpu.memory_space<semaphore_mem>>) src(%dma_wait3A_52 : memref<624x128xf32, #tpu.memory_space<vmem_shared>>) dst(%dma_wait3A_50 : memref<624x128xf32, #tpu.memory_space<hbm>>)
      tpu.yield
    }) : () -> ()
    %eq3A_39 = arith.constant 0 : i32
    %eq3A_40 = arith.cmpi eq, %arg1, %eq3A_39 : i32
    %convert_element_type3A_41 = arith.extui %eq3A_40 : i1 to i32
    %cond3A_42 = arith.constant 0 : i32
    %cond3A_43 = arith.cmpi ne, %convert_element_type3A_41, %cond3A_42 : i32
    scf.if %cond3A_43 {
      "tpu.region"() ({
        %run_scoped3A = tpu.sem_alloc : memref<!tpu.dma_semaphore, #tpu.memory_space<semaphore_mem>>
        %dma_start3A_44 = arith.constant 9984 : i32
        %dma_start3A_45 = arith.constant 0 : i32
        %dma_start3A_46 = tpu.memref_slice %arg5[%arg0, %dma_start3A_44, %dma_start3A_45] : memref<2x10000x128xf32, #tpu.memory_space<hbm>> -> memref<1x16x128xf32, #tpu.memory_space<hbm>>
        %dma_start3A_47 = tpu.memref_squeeze %dma_start3A_46 : memref<1x16x128xf32, #tpu.memory_space<hbm>> -> memref<16x128xf32, #tpu.memory_space<hbm>>
        %dma_start3A_48 = arith.constant 9984 : i32
        %dma_start3A_49 = arith.constant 0 : i32
        %dma_start3A_50 = tpu.memref_slice %arg9[%dma_start3A_48, %dma_start3A_49] : memref<10512x128xf32, #tpu.memory_space<vmem_shared>> -> memref<16x128xf32, #tpu.memory_space<vmem_shared>>
        tpu.enqueue_dma source(%dma_start3A_50 : memref<16x128xf32, #tpu.memory_space<vmem_shared>>) target(%dma_start3A_47 : memref<16x128xf32, #tpu.memory_space<hbm>>) target_semaphore(%run_scoped3A : memref<!tpu.dma_semaphore, #tpu.memory_space<semaphore_mem>>)
        %dma_wait3A = arith.constant 9984 : i32
        %dma_wait3A_51 = arith.constant 0 : i32
        %dma_wait3A_52 = tpu.memref_slice %arg5[%arg0, %dma_wait3A, %dma_wait3A_51] : memref<2x10000x128xf32, #tpu.memory_space<hbm>> -> memref<1x16x128xf32, #tpu.memory_space<hbm>>
        %dma_wait3A_53 = tpu.memref_squeeze %dma_wait3A_52 : memref<1x16x128xf32, #tpu.memory_space<hbm>> -> memref<16x128xf32, #tpu.memory_space<hbm>>
        %dma_wait3A_54 = arith.constant 9984 : i32
        %dma_wait3A_55 = arith.constant 0 : i32
        %dma_wait3A_56 = tpu.memref_slice %arg9[%dma_wait3A_54, %dma_wait3A_55] : memref<10512x128xf32, #tpu.memory_space<vmem_shared>> -> memref<16x128xf32, #tpu.memory_space<vmem_shared>>
        tpu.wait_dma2 semaphore(%run_scoped3A : memref<!tpu.dma_semaphore, #tpu.memory_space<semaphore_mem>>) src(%dma_wait3A_56 : memref<16x128xf32, #tpu.memory_space<vmem_shared>>) dst(%dma_wait3A_53 : memref<16x128xf32, #tpu.memory_space<hbm>>)
        tpu.yield
      }) : () -> ()
    } else {
    }
    return
  }
}

module attributes {stable_mosaic.version = 14 : i64} {
  func.func @_out_body(%arg0: i32, %arg1: memref<1000x128xf32, #tpu.memory_space<vmem>>, %arg2: memref<2x1000x128xf32, #tpu.memory_space<vmem>>, %arg3: memref<1000x128xf32, #tpu.memory_space<vmem>>, %arg4: memref<128x128xf32, #tpu.memory_space<vmem>>, %arg5: memref<1x128xf32, #tpu.memory_space<vmem>>, %arg6: memref<256x128xf32, #tpu.memory_space<vmem>>, %arg7: memref<1x256xf32, #tpu.memory_space<vmem>>, %arg8: memref<128x256xf32, #tpu.memory_space<vmem>>, %arg9: memref<1x128xf32, #tpu.memory_space<vmem>>, %arg10: memref<1000x128xf32, #tpu.memory_space<vmem>>) attributes {dimension_semantics = [#tpu.dimension_semantics<arbitrary>], iteration_bounds = array<i64: 10>, scalar_prefetch = 0 : i64, scratch_operands = 0 : i64, tpu.core_type = #tpu.core_type<tc>, window_params = [{transform_indices = @transform_0, window_bounds = array<i64: 1000, 128>}, {transform_indices = @transform_1, window_bounds = array<i64: 2, 1000, 128>}, {transform_indices = @transform_2, window_bounds = array<i64: 1000, 128>}, {pipeline_mode = #tpu.pipeline_mode<synchronous>, transform_indices = @transform_3, window_bounds = array<i64: 128, 128>}, {pipeline_mode = #tpu.pipeline_mode<synchronous>, transform_indices = @transform_4, window_bounds = array<i64: 1, 128>}, {pipeline_mode = #tpu.pipeline_mode<synchronous>, transform_indices = @transform_5, window_bounds = array<i64: 256, 128>}, {pipeline_mode = #tpu.pipeline_mode<synchronous>, transform_indices = @transform_6, window_bounds = array<i64: 1, 256>}, {pipeline_mode = #tpu.pipeline_mode<synchronous>, transform_indices = @transform_7, window_bounds = array<i64: 128, 256>}, {pipeline_mode = #tpu.pipeline_mode<synchronous>, transform_indices = @transform_8, window_bounds = array<i64: 1, 128>}, {transform_indices = @transform_9, window_bounds = array<i64: 1000, 128>}]} {
    %get3A = arith.constant 0 : index
    %get3A_0 = arith.constant 0 : index
    %get3A_1 = vector.load %arg1[%get3A, %get3A_0] : memref<1000x128xf32, #tpu.memory_space<vmem>>, vector<1000x128xf32>
    %get3A_2 = arith.constant 0 : index
    %get3A_3 = arith.constant 0 : index
    %get3A_4 = arith.constant 0 : index
    %get3A_5 = vector.load %arg2[%get3A_2, %get3A_3, %get3A_4] : memref<2x1000x128xf32, #tpu.memory_space<vmem>>, vector<1x1000x128xf32>
    %get3A_6 = vector.shape_cast %get3A_5 : vector<1x1000x128xf32> to vector<1000x128xf32>
    %add3A = arith.addf %get3A_1, %get3A_6 : vector<1000x128xf32>
    %get3A_7 = arith.constant 1 : index
    %get3A_8 = arith.constant 0 : index
    %get3A_9 = arith.constant 0 : index
    %get3A_10 = vector.load %arg2[%get3A_7, %get3A_8, %get3A_9] : memref<2x1000x128xf32, #tpu.memory_space<vmem>>, vector<1x1000x128xf32>
    %get3A_11 = vector.shape_cast %get3A_10 : vector<1x1000x128xf32> to vector<1000x128xf32>
    %add3A_12 = arith.addf %add3A, %get3A_11 : vector<1000x128xf32>
    %get3A_13 = arith.constant 0 : index
    %get3A_14 = arith.constant 0 : index
    %get3A_15 = vector.load %arg4[%get3A_13, %get3A_14] : memref<128x128xf32, #tpu.memory_space<vmem>>, vector<128x128xf32>
    %dot_general3A = arith.constant dense<0.000000e+00> : vector<1000x128xf32>
    %dot_general3A_16 = tpu.matmul %add3A_12, %get3A_15, %dot_general3A {dimension_numbers = #tpu.dot_dimension_numbers<[1], [1], [0], [0], [0, 0, 1, 0], [], []>, transpose_lhs_hint = false} : vector<1000x128xf32>, vector<128x128xf32>, vector<1000x128xf32> -> vector<1000x128xf32>
    %get3A_17 = arith.constant 0 : index
    %get3A_18 = arith.constant 0 : index
    %get3A_19 = vector.load %arg5[%get3A_17, %get3A_18] : memref<1x128xf32, #tpu.memory_space<vmem>>, vector<1x128xf32>
    %add3A_20 = vector.broadcast %get3A_19 : vector<1x128xf32> to vector<1000x128xf32>
    %add3A_21 = arith.addf %dot_general3A_16, %add3A_20 : vector<1000x128xf32>
    %get3A_22 = arith.constant 0 : index
    %get3A_23 = arith.constant 0 : index
    %get3A_24 = vector.load %arg3[%get3A_22, %get3A_23] : memref<1000x128xf32, #tpu.memory_space<vmem>>, vector<1000x128xf32>
    %add3A_25 = arith.addf %add3A_21, %get3A_24 : vector<1000x128xf32>
    %get3A_26 = arith.constant 0 : index
    %get3A_27 = arith.constant 0 : index
    %get3A_28 = vector.load %arg6[%get3A_26, %get3A_27] : memref<256x128xf32, #tpu.memory_space<vmem>>, vector<256x128xf32>
    %dot_general3A_29 = arith.constant dense<0.000000e+00> : vector<1000x256xf32>
    %dot_general3A_30 = tpu.matmul %add3A_25, %get3A_28, %dot_general3A_29 {dimension_numbers = #tpu.dot_dimension_numbers<[1], [1], [0], [0], [0, 0, 1, 0], [], []>, transpose_lhs_hint = false} : vector<1000x128xf32>, vector<256x128xf32>, vector<1000x256xf32> -> vector<1000x256xf32>
    %get3A_31 = arith.constant 0 : index
    %get3A_32 = arith.constant 0 : index
    %get3A_33 = vector.load %arg7[%get3A_31, %get3A_32] : memref<1x256xf32, #tpu.memory_space<vmem>>, vector<1x256xf32>
    %add3A_34 = vector.broadcast %get3A_33 : vector<1x256xf32> to vector<1000x256xf32>
    %add3A_35 = arith.addf %dot_general3A_30, %add3A_34 : vector<1000x256xf32>
    %get3A_36 = arith.constant 0 : index
    %get3A_37 = arith.constant 0 : index
    %get3A_38 = vector.load %arg8[%get3A_36, %get3A_37] : memref<128x256xf32, #tpu.memory_space<vmem>>, vector<128x256xf32>
    %dot_general3A_39 = arith.constant dense<0.000000e+00> : vector<1000x128xf32>
    %dot_general3A_40 = tpu.matmul %add3A_35, %get3A_38, %dot_general3A_39 {dimension_numbers = #tpu.dot_dimension_numbers<[1], [1], [0], [0], [0, 0, 1, 0], [], []>, transpose_lhs_hint = false} : vector<1000x256xf32>, vector<128x256xf32>, vector<1000x128xf32> -> vector<1000x128xf32>
    %get3A_41 = arith.constant 0 : index
    %get3A_42 = arith.constant 0 : index
    %get3A_43 = vector.load %arg9[%get3A_41, %get3A_42] : memref<1x128xf32, #tpu.memory_space<vmem>>, vector<1x128xf32>
    %add3A_44 = vector.broadcast %get3A_43 : vector<1x128xf32> to vector<1000x128xf32>
    %add3A_45 = arith.addf %dot_general3A_40, %add3A_44 : vector<1000x128xf32>
    %swap3A = arith.constant 0 : index
    %swap3A_46 = arith.constant 0 : index
    %swap3A_47 = vector.load %arg10[%swap3A, %swap3A_46] : memref<1000x128xf32, #tpu.memory_space<vmem>>, vector<1000x128xf32>
    tpu.vector_store %arg10[%swap3A, %swap3A_46], %add3A_45 {strides = array<i32>} : memref<1000x128xf32, #tpu.memory_space<vmem>>, vector<1000x128xf32>,
    return
  }
  func.func @transform_0(%arg0: i32) -> (i32, i32) {
    %c0_i32 = arith.constant 0 : i32
    %c0_i32_0 = arith.constant 0 : i32
    return %arg0, %c0_i32 : i32, i32
  }
  func.func @transform_1(%arg0: i32) -> (i32, i32, i32) {
    %c0_i32 = arith.constant 0 : i32
    %c0_i32_0 = arith.constant 0 : i32
    %c0_i32_1 = arith.constant 0 : i32
    return %c0_i32, %arg0, %c0_i32_0 : i32, i32, i32
  }
  func.func @transform_2(%arg0: i32) -> (i32, i32) {
    %c0_i32 = arith.constant 0 : i32
    %c0_i32_0 = arith.constant 0 : i32
    return %arg0, %c0_i32 : i32, i32
  }
  func.func @transform_3(%arg0: i32) -> (i32, i32) {
    %c0_i32 = arith.constant 0 : i32
    %c0_i32_0 = arith.constant 0 : i32
    %c0_i32_1 = arith.constant 0 : i32
    return %c0_i32, %c0_i32_0 : i32, i32
  }
  func.func @transform_4(%arg0: i32) -> (i32, i32) {
    %c0_i32 = arith.constant 0 : i32
    %c0_i32_0 = arith.constant 0 : i32
    %c0_i32_1 = arith.constant 0 : i32
    return %c0_i32, %c0_i32_0 : i32, i32
  }
  func.func @transform_5(%arg0: i32) -> (i32, i32) {
    %c0_i32 = arith.constant 0 : i32
    %c0_i32_0 = arith.constant 0 : i32
    %c0_i32_1 = arith.constant 0 : i32
    return %c0_i32, %c0_i32_0 : i32, i32
  }
  func.func @transform_6(%arg0: i32) -> (i32, i32) {
    %c0_i32 = arith.constant 0 : i32
    %c0_i32_0 = arith.constant 0 : i32
    %c0_i32_1 = arith.constant 0 : i32
    return %c0_i32, %c0_i32_0 : i32, i32
  }
  func.func @transform_7(%arg0: i32) -> (i32, i32) {
    %c0_i32 = arith.constant 0 : i32
    %c0_i32_0 = arith.constant 0 : i32
    %c0_i32_1 = arith.constant 0 : i32
    return %c0_i32, %c0_i32_0 : i32, i32
  }
  func.func @transform_8(%arg0: i32) -> (i32, i32) {
    %c0_i32 = arith.constant 0 : i32
    %c0_i32_0 = arith.constant 0 : i32
    %c0_i32_1 = arith.constant 0 : i32
    return %c0_i32, %c0_i32_0 : i32, i32
  }
  func.func @transform_9(%arg0: i32) -> (i32, i32) {
    %c0_i32 = arith.constant 0 : i32
    %c0_i32_0 = arith.constant 0 : i32
    return %arg0, %c0_i32 : i32, i32
  }
}

module attributes {stable_mosaic.version = 14 : i64} {
  func.func @_prep_body(%arg0: i32, %arg1: memref<2x32768xi32, #tpu.memory_space<vmem>>, %arg2: memref<256x2x128xi32, #tpu.memory_space<vmem>>) attributes {dimension_semantics = [#tpu.dimension_semantics<arbitrary>], iteration_bounds = array<i64: 10>, scalar_prefetch = 0 : i64, scratch_operands = 0 : i64, tpu.core_type = #tpu.core_type<tc>, window_params = [{transform_indices = @transform_0, window_bounds = array<i64: 2, 32768>}, {transform_indices = @transform_1, window_bounds = array<i64: 256, 2, 128>}]} {
    %iota3A = tpu.iota {dimensions = array<i32: 0>} : vector<256x128xi32>
    %iota3A_0 = tpu.iota {dimensions = array<i32: 1>} : vector<256x128xi32>
    %mul3A = arith.constant 32768 : i32
    %mul3A_1 = arith.muli %arg0, %mul3A : i32
    %mul3A_2 = arith.constant 128 : i32
    %mul3A_3 = vector.broadcast %mul3A_2 : i32 to vector<256x128xi32>
    %mul3A_4 = arith.muli %iota3A, %mul3A_3 : vector<256x128xi32>
    %add3A = vector.broadcast %mul3A_1 : i32 to vector<256x128xi32>
    %add3A_5 = arith.addi %add3A, %mul3A_4 : vector<256x128xi32>
    %add3A_6 = arith.addi %add3A_5, %iota3A_0 : vector<256x128xi32>
    %lt3A = arith.constant 320000 : i32
    %lt3A_7 = vector.broadcast %lt3A : i32 to vector<256x128xi32>
    %lt3A_8 = arith.cmpi slt, %add3A_6, %lt3A_7 : vector<256x128xi32>
    %sub3A = arith.constant 320000 : i32
    %sub3A_9 = vector.broadcast %sub3A : i32 to vector<256x128xi32>
    %sub3A_10 = arith.subi %add3A_6, %sub3A_9 : vector<256x128xi32>
    %get3A = arith.constant 0 : index
    %get3A_11 = arith.constant 0 : index
    %get3A_12 = vector.load %arg1[%get3A, %get3A_11] : memref<2x32768xi32, #tpu.memory_space<vmem>>, vector<1x32768xi32>
    %get3A_13 = vector.shape_cast %get3A_12 : vector<1x32768xi32> to vector<32768xi32>
    %reshape3A = vector.shape_cast %get3A_13 : vector<32768xi32> to vector<256x128xi32>
    %get3A_14 = arith.constant 1 : index
    %get3A_15 = arith.constant 0 : index
    %get3A_16 = vector.load %arg1[%get3A_14, %get3A_15] : memref<2x32768xi32, #tpu.memory_space<vmem>>, vector<1x32768xi32>
    %get3A_17 = vector.shape_cast %get3A_16 : vector<1x32768xi32> to vector<32768xi32>
    %reshape3A_18 = vector.shape_cast %get3A_17 : vector<32768xi32> to vector<256x128xi32>
    %jit3A = arith.constant 10000 : i32
    %eq3A = arith.constant 0 : i32
    %eq3A_19 = arith.cmpi eq, %jit3A, %eq3A : i32
    %jit3A_20 = arith.constant 1 : i32
    %select_n3A = arith.select %eq3A_19, %jit3A_20, %jit3A : i32
    %rem3A = vector.broadcast %select_n3A : i32 to vector<256x128xi32>
    %rem3A_21 = arith.remsi %sub3A_10, %rem3A : vector<256x128xi32>
    %ne3A = arith.constant 0 : i32
    %ne3A_22 = vector.broadcast %ne3A : i32 to vector<256x128xi32>
    %ne3A_23 = arith.cmpi ne, %rem3A_21, %ne3A_22 : vector<256x128xi32>
    %lt3A_24 = arith.constant 0 : i32
    %lt3A_25 = vector.broadcast %lt3A_24 : i32 to vector<256x128xi32>
    %lt3A_26 = arith.cmpi slt, %rem3A_21, %lt3A_25 : vector<256x128xi32>
    %lt3A_27 = arith.constant 0 : i32
    %lt3A_28 = arith.cmpi slt, %select_n3A, %lt3A_27 : i32
    %ne3A_29 = vector.broadcast %lt3A_28 : i1 to vector<256x128xi1>
    %ne3A_30 = vector.broadcast %ne3A_29 : vector<256x128xi1> to vector<256x128xi1>
    %ne3A_31 = arith.xori %lt3A_26, %ne3A_30 : vector<256x128xi1>
    %and3A = arith.andi %ne3A_31, %ne3A_23 : vector<256x128xi1>
    %add3A_32 = vector.broadcast %select_n3A : i32 to vector<256x128xi32>
    %add3A_33 = arith.addi %rem3A_21, %add3A_32 : vector<256x128xi32>
    %select_n3A_34 = arith.select %and3A, %add3A_33, %rem3A_21 : vector<256x128xi1>, vector<256x128xi32>
    %select_n3A_35 = arith.select %lt3A_8, %reshape3A, %select_n3A_34 : vector<256x128xi1>, vector<256x128xi32>
    %swap3A = arith.constant 0 : index
    %swap3A_36 = arith.constant 0 : index
    %swap3A_37 = arith.constant 0 : index
    %swap3A_38 = vector.load %arg2[%swap3A, %swap3A_36, %swap3A_37] : memref<256x2x128xi32, #tpu.memory_space<vmem>>, vector<256x1x128xi32>
    %swap3A_39 = vector.shape_cast %swap3A_38 : vector<256x1x128xi32> to vector<256x128xi32>
    %swap3A_40 = vector.shape_cast %select_n3A_35 : vector<256x128xi32> to vector<256x1x128xi32>
    tpu.vector_store %arg2[%swap3A, %swap3A_36, %swap3A_37], %swap3A_40 {strides = array<i32>} : memref<256x2x128xi32, #tpu.memory_space<vmem>>, vector<256x1x128xi32>,
    %jit3A_41 = arith.constant 512 : i32
    %eq3A_42 = arith.constant 0 : i32
    %eq3A_43 = arith.cmpi eq, %jit3A_41, %eq3A_42 : i32
    %jit3A_44 = arith.constant 1 : i32
    %select_n3A_45 = arith.select %eq3A_43, %jit3A_44, %jit3A_41 : i32
    %rem3A_46 = vector.broadcast %select_n3A_45 : i32 to vector<256x128xi32>
    %rem3A_47 = arith.remsi %sub3A_10, %rem3A_46 : vector<256x128xi32>
    %ne3A_48 = arith.constant 0 : i32
    %ne3A_49 = vector.broadcast %ne3A_48 : i32 to vector<256x128xi32>
    %ne3A_50 = arith.cmpi ne, %rem3A_47, %ne3A_49 : vector<256x128xi32>
    %lt3A_51 = arith.constant 0 : i32
    %lt3A_52 = vector.broadcast %lt3A_51 : i32 to vector<256x128xi32>
    %lt3A_53 = arith.cmpi slt, %rem3A_47, %lt3A_52 : vector<256x128xi32>
    %lt3A_54 = arith.constant 0 : i32
    %lt3A_55 = arith.cmpi slt, %select_n3A_45, %lt3A_54 : i32
    %ne3A_56 = vector.broadcast %lt3A_55 : i1 to vector<256x128xi1>
    %ne3A_57 = vector.broadcast %ne3A_56 : vector<256x128xi1> to vector<256x128xi1>
    %ne3A_58 = arith.xori %lt3A_53, %ne3A_57 : vector<256x128xi1>
    %and3A_59 = arith.andi %ne3A_58, %ne3A_50 : vector<256x128xi1>
    %add3A_60 = vector.broadcast %select_n3A_45 : i32 to vector<256x128xi32>
    %add3A_61 = arith.addi %rem3A_47, %add3A_60 : vector<256x128xi32>
    %select_n3A_62 = arith.select %and3A_59, %add3A_61, %rem3A_47 : vector<256x128xi1>, vector<256x128xi32>
    %add3A_63 = arith.constant 10000 : i32
    %add3A_64 = vector.broadcast %add3A_63 : i32 to vector<256x128xi32>
    %add3A_65 = arith.addi %add3A_64, %select_n3A_62 : vector<256x128xi32>
    %select_n3A_66 = arith.select %lt3A_8, %reshape3A_18, %add3A_65 : vector<256x128xi1>, vector<256x128xi32>
    %swap3A_67 = arith.constant 0 : index
    %swap3A_68 = arith.constant 1 : index
    %swap3A_69 = arith.constant 0 : index
    %swap3A_70 = vector.load %arg2[%swap3A_67, %swap3A_68, %swap3A_69] : memref<256x2x128xi32, #tpu.memory_space<vmem>>, vector<256x1x128xi32>
    %swap3A_71 = vector.shape_cast %swap3A_70 : vector<256x1x128xi32> to vector<256x128xi32>
    %swap3A_72 = vector.shape_cast %select_n3A_66 : vector<256x128xi32> to vector<256x1x128xi32>
    tpu.vector_store %arg2[%swap3A_67, %swap3A_68, %swap3A_69], %swap3A_72 {strides = array<i32>} : memref<256x2x128xi32, #tpu.memory_space<vmem>>, vector<256x1x128xi32>,
    return
  }
  func.func @transform_0(%arg0: i32) -> (i32, i32) {
    %c0_i32 = arith.constant 0 : i32
    %c0_i32_0 = arith.constant 0 : i32
    return %c0_i32, %arg0 : i32, i32
  }
  func.func @transform_1(%arg0: i32) -> (i32, i32, i32) {
    %c0_i32 = arith.constant 0 : i32
    %c0_i32_0 = arith.constant 0 : i32
    %c0_i32_1 = arith.constant 0 : i32
    return %arg0, %c0_i32, %c0_i32_0 : i32, i32, i32
  }
}

module attributes {stable_mosaic.version = 14 : i64} {
  func.func @_h_body(%arg0: i32, %arg1: memref<1000x128xf32, #tpu.memory_space<vmem>>, %arg2: memref<1000x128xf32, #tpu.memory_space<vmem>>, %arg3: memref<128x128xf32, #tpu.memory_space<vmem>>, %arg4: memref<1x128xf32, #tpu.memory_space<vmem>>, %arg5: memref<128x128xf32, #tpu.memory_space<vmem>>, %arg6: memref<1x128xf32, #tpu.memory_space<vmem>>, %arg7: memref<128x128xf32, #tpu.memory_space<vmem>>, %arg8: memref<1x128xf32, #tpu.memory_space<vmem>>, %arg9: memref<1000x128xf32, #tpu.memory_space<vmem>>, %arg10: memref<1000x128xf32, #tpu.memory_space<vmem>>, %arg11: memref<1000x128xf32, #tpu.memory_space<vmem>>) attributes {dimension_semantics = [#tpu.dimension_semantics<arbitrary>], iteration_bounds = array<i64: 10>, scalar_prefetch = 0 : i64, scratch_operands = 0 : i64, tpu.core_type = #tpu.core_type<tc>, window_params = [{transform_indices = @transform_0, window_bounds = array<i64: 1000, 128>}, {transform_indices = @transform_1, window_bounds = array<i64: 1000, 128>}, {pipeline_mode = #tpu.pipeline_mode<synchronous>, transform_indices = @transform_2, window_bounds = array<i64: 128, 128>}, {pipeline_mode = #tpu.pipeline_mode<synchronous>, transform_indices = @transform_3, window_bounds = array<i64: 1, 128>}, {pipeline_mode = #tpu.pipeline_mode<synchronous>, transform_indices = @transform_4, window_bounds = array<i64: 128, 128>}, {pipeline_mode = #tpu.pipeline_mode<synchronous>, transform_indices = @transform_5, window_bounds = array<i64: 1, 128>}, {pipeline_mode = #tpu.pipeline_mode<synchronous>, transform_indices = @transform_6, window_bounds = array<i64: 128, 128>}, {pipeline_mode = #tpu.pipeline_mode<synchronous>, transform_indices = @transform_7, window_bounds = array<i64: 1, 128>}, {transform_indices = @transform_8, window_bounds = array<i64: 1000, 128>}, {transform_indices = @transform_9, window_bounds = array<i64: 1000, 128>}, {transform_indices = @transform_10, window_bounds = array<i64: 1000, 128>}]} {
    %get3A = arith.constant 0 : index
    %get3A_0 = arith.constant 0 : index
    %get3A_1 = vector.load %arg1[%get3A, %get3A_0] : memref<1000x128xf32, #tpu.memory_space<vmem>>, vector<1000x128xf32>
    %get3A_2 = arith.constant 0 : index
    %get3A_3 = arith.constant 0 : index
    %get3A_4 = vector.load %arg3[%get3A_2, %get3A_3] : memref<128x128xf32, #tpu.memory_space<vmem>>, vector<128x128xf32>
    %dot_general3A = arith.constant dense<0.000000e+00> : vector<1000x128xf32>
    %dot_general3A_5 = tpu.matmul %get3A_1, %get3A_4, %dot_general3A {dimension_numbers = #tpu.dot_dimension_numbers<[1], [1], [0], [0], [0, 0, 1, 0], [], []>, transpose_lhs_hint = false} : vector<1000x128xf32>, vector<128x128xf32>, vector<1000x128xf32> -> vector<1000x128xf32>
    %get3A_6 = arith.constant 0 : index
    %get3A_7 = arith.constant 0 : index
    %get3A_8 = vector.load %arg4[%get3A_6, %get3A_7] : memref<1x128xf32, #tpu.memory_space<vmem>>, vector<1x128xf32>
    %add3A = vector.broadcast %get3A_8 : vector<1x128xf32> to vector<1000x128xf32>
    %add3A_9 = arith.addf %dot_general3A_5, %add3A : vector<1000x128xf32>
    %get3A_10 = arith.constant 0 : index
    %get3A_11 = arith.constant 0 : index
    %get3A_12 = vector.load %arg2[%get3A_10, %get3A_11] : memref<1000x128xf32, #tpu.memory_space<vmem>>, vector<1000x128xf32>
    %get3A_13 = arith.constant 0 : index
    %get3A_14 = arith.constant 0 : index
    %get3A_15 = vector.load %arg5[%get3A_13, %get3A_14] : memref<128x128xf32, #tpu.memory_space<vmem>>, vector<128x128xf32>
    %dot_general3A_16 = arith.constant dense<0.000000e+00> : vector<1000x128xf32>
    %dot_general3A_17 = tpu.matmul %get3A_12, %get3A_15, %dot_general3A_16 {dimension_numbers = #tpu.dot_dimension_numbers<[1], [1], [0], [0], [0, 0, 1, 0], [], []>, transpose_lhs_hint = false} : vector<1000x128xf32>, vector<128x128xf32>, vector<1000x128xf32> -> vector<1000x128xf32>
    %get3A_18 = arith.constant 0 : index
    %get3A_19 = arith.constant 0 : index
    %get3A_20 = vector.load %arg6[%get3A_18, %get3A_19] : memref<1x128xf32, #tpu.memory_space<vmem>>, vector<1x128xf32>
    %add3A_21 = vector.broadcast %get3A_20 : vector<1x128xf32> to vector<1000x128xf32>
    %add3A_22 = arith.addf %dot_general3A_17, %add3A_21 : vector<1000x128xf32>
    %get3A_23 = arith.constant 0 : index
    %get3A_24 = arith.constant 0 : index
    %get3A_25 = vector.load %arg2[%get3A_23, %get3A_24] : memref<1000x128xf32, #tpu.memory_space<vmem>>, vector<1000x128xf32>
    %get3A_26 = arith.constant 0 : index
    %get3A_27 = arith.constant 0 : index
    %get3A_28 = vector.load %arg7[%get3A_26, %get3A_27] : memref<128x128xf32, #tpu.memory_space<vmem>>, vector<128x128xf32>
    %dot_general3A_29 = arith.constant dense<0.000000e+00> : vector<1000x128xf32>
    %dot_general3A_30 = tpu.matmul %get3A_25, %get3A_28, %dot_general3A_29 {dimension_numbers = #tpu.dot_dimension_numbers<[1], [1], [0], [0], [0, 0, 1, 0], [], []>, transpose_lhs_hint = false} : vector<1000x128xf32>, vector<128x128xf32>, vector<1000x128xf32> -> vector<1000x128xf32>
    %get3A_31 = arith.constant 0 : index
    %get3A_32 = arith.constant 0 : index
    %get3A_33 = vector.load %arg8[%get3A_31, %get3A_32] : memref<1x128xf32, #tpu.memory_space<vmem>>, vector<1x128xf32>
    %add3A_34 = vector.broadcast %get3A_33 : vector<1x128xf32> to vector<1000x128xf32>
    %add3A_35 = arith.addf %dot_general3A_30, %add3A_34 : vector<1000x128xf32>
    %mul3A = arith.mulf %add3A_9, %add3A_22 : vector<1000x128xf32>
    %swap3A = arith.constant 0 : index
    %swap3A_36 = arith.constant 0 : index
    %swap3A_37 = vector.load %arg9[%swap3A, %swap3A_36] : memref<1000x128xf32, #tpu.memory_space<vmem>>, vector<1000x128xf32>
    tpu.vector_store %arg9[%swap3A, %swap3A_36], %mul3A {strides = array<i32>} : memref<1000x128xf32, #tpu.memory_space<vmem>>, vector<1000x128xf32>,
    %add3A_38 = arith.addf %mul3A, %add3A_35 : vector<1000x128xf32>
    %swap3A_39 = arith.constant 0 : index
    %swap3A_40 = arith.constant 0 : index
    %swap3A_41 = vector.load %arg10[%swap3A_39, %swap3A_40] : memref<1000x128xf32, #tpu.memory_space<vmem>>, vector<1000x128xf32>
    tpu.vector_store %arg10[%swap3A_39, %swap3A_40], %add3A_38 {strides = array<i32>} : memref<1000x128xf32, #tpu.memory_space<vmem>>, vector<1000x128xf32>,
    %broadcast_in_dim3A = arith.constant 0.000000e+00 : f32
    %broadcast_in_dim3A_42 = vector.broadcast %broadcast_in_dim3A : f32 to vector<1000x128xf32>
    %swap3A_43 = arith.constant 0 : index
    %swap3A_44 = arith.constant 0 : index
    %swap3A_45 = vector.load %arg11[%swap3A_43, %swap3A_44] : memref<1000x128xf32, #tpu.memory_space<vmem>>, vector<1000x128xf32>
    tpu.vector_store %arg11[%swap3A_43, %swap3A_44], %broadcast_in_dim3A_42 {strides = array<i32>} : memref<1000x128xf32, #tpu.memory_space<vmem>>, vector<1000x128xf32>,
    return
  }
  func.func @transform_0(%arg0: i32) -> (i32, i32) {
    %c0_i32 = arith.constant 0 : i32
    %c0_i32_0 = arith.constant 0 : i32
    return %arg0, %c0_i32 : i32, i32
  }
  func.func @transform_1(%arg0: i32) -> (i32, i32) {
    %c0_i32 = arith.constant 0 : i32
    %c0_i32_0 = arith.constant 0 : i32
    return %arg0, %c0_i32 : i32, i32
  }
  func.func @transform_2(%arg0: i32) -> (i32, i32) {
    %c0_i32 = arith.constant 0 : i32
    %c0_i32_0 = arith.constant 0 : i32
    %c0_i32_1 = arith.constant 0 : i32
    return %c0_i32, %c0_i32_0 : i32, i32
  }
  func.func @transform_3(%arg0: i32) -> (i32, i32) {
    %c0_i32 = arith.constant 0 : i32
    %c0_i32_0 = arith.constant 0 : i32
    %c0_i32_1 = arith.constant 0 : i32
    return %c0_i32, %c0_i32_0 : i32, i32
  }
  func.func @transform_4(%arg0: i32) -> (i32, i32) {
    %c0_i32 = arith.constant 0 : i32
    %c0_i32_0 = arith.constant 0 : i32
    %c0_i32_1 = arith.constant 0 : i32
    return %c0_i32, %c0_i32_0 : i32, i32
  }
  func.func @transform_5(%arg0: i32) -> (i32, i32) {
    %c0_i32 = arith.constant 0 : i32
    %c0_i32_0 = arith.constant 0 : i32
    %c0_i32_1 = arith.constant 0 : i32
    return %c0_i32, %c0_i32_0 : i32, i32
  }
  func.func @transform_6(%arg0: i32) -> (i32, i32) {
    %c0_i32 = arith.constant 0 : i32
    %c0_i32_0 = arith.constant 0 : i32
    %c0_i32_1 = arith.constant 0 : i32
    return %c0_i32, %c0_i32_0 : i32, i32
  }
  func.func @transform_7(%arg0: i32) -> (i32, i32) {
    %c0_i32 = arith.constant 0 : i32
    %c0_i32_0 = arith.constant 0 : i32
    %c0_i32_1 = arith.constant 0 : i32
    return %c0_i32, %c0_i32_0 : i32, i32
  }
  func.func @transform_8(%arg0: i32) -> (i32, i32) {
    %c0_i32 = arith.constant 0 : i32
    %c0_i32_0 = arith.constant 0 : i32
    return %arg0, %c0_i32 : i32, i32
  }
  func.func @transform_9(%arg0: i32) -> (i32, i32) {
    %c0_i32 = arith.constant 0 : i32
    %c0_i32_0 = arith.constant 0 : i32
    return %arg0, %c0_i32 : i32, i32
  }
  func.func @transform_10(%arg0: i32) -> (i32, i32) {
    %c0_i32 = arith.constant 0 : i32
    %c0_i32_0 = arith.constant 0 : i32
    return %arg0, %c0_i32 : i32, i32
  }
}

</mosaic_0001>

<sc_bundles>
// kernel: kernel.6.cloned.1.call-start
scs
__scs_entry_jumppad:
0x0: {  	(pc) =	sbr.rel $0x88, $3  }
0x1: {  	(tag) =	ssettag $0x0;
	lr =	simm.s32 $0x1  }
0x2: {  	[smem:$0x3F92] =	sst lr;
	_ =	strace $0xD0000000  }
0x3: {  	_ = 	snop  }
0x4: {  	_ = 	snop  }
0x5: {  	_ = 	snop  }
0x6: {  	_ = 	snop  }
0x7: {  	_ = 	snop  }
__scs_overlays_trampoline_lowered:
0x8: {  	[smem:$0x3FA1] =	sst s0  }
0x9: {  	[smem:$0x3FA2] =	sst s1  }
0xa: {  	[smem:$0x3FA3] =	sst s2  }
0xb: {  	[smem:$0x3FA4] =	sst s3  }
0xc: {  	[smem:$0x3FA5] =	sst s4  }
0xd: {  	[smem:$0x3FA6] =	sst s5  }
0xe: {  	[smem:$0x3FA7] =	sst s6  }
0xf: {  	[smem:$0x3FA8] =	sst s7  }
0x10: {  	[smem:$0x3FA9] =	sst s8  }
0x11: {  	[smem:$0x3FAA] =	sst s9;
	s0 =	simm.s32 @!p0 $0x0  }
0x12: {  	s1 =	sld [smem:$0x3F90];
	s0 =	simm.s32 @p0 $0x1  }
0x13: {  	[smem:$0x3FAB] =	sst s0;
	s0 =	simm.s32 @!p1 $0x0  }
0x14: {  	s2 =	sld [smem:$0x3F8F];
	s0 =	simm.s32 @p1 $0x1  }
0x15: {  	[smem:$0x3FAC] =	sst s0;
	s0 =	simm.s32 @!p2 $0x0  }
0x16: {  	s3 =	sld [smem:$0x3FDB];
	s0 =	simm.s32 @p2 $0x1  }
0x17: {  	s4 =	simm.s32 $0x1BF5;
	[smem:$0x3FAE] =	sst s0  }
0x18: {  	s0 =	sld [smem:$0x3F91];
	_ =	swait.ge [sflag:s4], $0x0  }
0x19: {  	s7 =	sld [smem:$0x3F92]  }
0x1a: {  	s8 =	sadd.s32 $0xFFFFE003, lr  }
0x1b: {  	s9 =	sadd.s32 $0xFFFFFEF7, lr;
	s5 =	simm.s32 $0xFFFFFFFF;
	p2 =	slt.u32 s8, $0xFFFFF086  }
0x1c: {  	p1 =	slt.u32 s9, $0xF7A;
	s5 =	simm.s32 @!p2 $0x0  }
0x1d: {  	s5 =	simm.s32 @p1 $0x1;
	p0 =	seq.s32 s7, s2  }
0x1e: {  	s7 =	smul.u32 @!p0 $0xF7A, s2;
	p2 =	seq.s32 @!p0 s5, $0x0  }
0x1f: {  	s9 =	smul.u32 $0xF7A, s1;
	s8 =	simm.s32 @!p0 $0x1BF5;
	p2 =	por !p2, p0  }
0x20: {  	[sflag:s8] =	ssyncset.s32 @!p0 $0xFFFFF086;
	s6 =	sadd.s32 @!p0 s3, s7;
	s7 =	simm.s32 @!p0 $0x108  }
0x21: {  	s3 =	sadd.s32 s3, s9;
	s6 =	sadd.s32 @!p0 $0x88, s6;
	s7 =	simm.s32 @p2 $0x1082  }
0x22: {  	[simem:s7], [sflag:s8] =	dma.local @!p0 [hbm:s6], $0xF7A  }
0x23: {  	s9 =	sor.u32 $0xD0000000, s2;
	s6 =	simm.s32 $0x108;
	_ =	swait.ge @!p0 [sflag:s8], $0x0  }
0x24: {  	s3 =	sadd.s32 $0x88, s3;
	s6 =	simm.s32 @!p1 $0x1082;
	[sflag:s4] =	ssyncset.s32 $0xFFFFF086  }
0x25: {  	[simem:s6], [sflag:s4] =	dma.local [hbm:s3], $0xF7A  }
0x26: {  	[smem:$0x3F92] =	sst s1;
	(tag) =	ssettag s2;
	_ =	strace s9  }
0x27: {  	s1 =	sld [smem:$0x3FA2]  }
0x28: {  	s2 =	sld [smem:$0x3FA3]  }
0x29: {  	s4 =	sld [smem:$0x3FA5]  }
0x2a: {  	p0 =	seq.s32 s5, $0x0;
	s5 =	sld [smem:$0x3FA6]  }
0x2b: {  	s6 =	sld [smem:$0x3FA7]  }
0x2c: {  	s7 =	sld [smem:$0x3FA8]  }
0x2d: {  	s3 =	simm.s32 $0x108;
	s8 =	sld [smem:$0x3FA9]  }
0x2e: {  	s3 =	simm.s32 @!p0 $0x1082;
	s9 =	sld [smem:$0x3FAA]  }
0x2f: {  	lr =	sadd.s32 s0, s3;
	s0 =	sld [smem:$0x3FA1]  }
0x30: {  	s3 =	sld [smem:$0x3FA4]  }
0x31: {  	[smem:$0x3FAD] =	sst s10  }
0x32: {  	s10 =	sld [smem:$0x3FAB];
	_ =	sdelay $0x3  }
0x33: {  	p0 =	seq.s32 s10, $0x1;
	s10 =	sld [smem:$0x3FAD];
	_ =	sdelay $0x3  }
0x34: {  	[smem:$0x3FAD] =	sst s10  }
0x35: {  	s10 =	sld [smem:$0x3FAC];
	_ =	sdelay $0x3  }
0x36: {  	p1 =	seq.s32 s10, $0x1;
	s10 =	sld [smem:$0x3FAD];
	_ =	sdelay $0x3  }
0x37: {  	[smem:$0x3FAD] =	sst s10  }
0x38: {  	s10 =	sld [smem:$0x3FAE]  }
0x39: {  	_ = 	snop;
	(pc) =	sbr.ind lr, $3  }
0x3a: {  	_ = 	snop  }
0x3b: {  	_ = 	snop  }
0x3c: {  	p2 =	seq.s32 s10, $0x1;
	s10 =	sld [smem:$0x3FAD]  }
0x3d: {  	_ =	shalt  }
0x3e: {  	_ =	shalt  }
0x3f: {  	_ =	shalt  }
0x40: {  	_ =	shalt  }
0x41: {  	_ =	shalt  }
0x42: {  	_ =	shalt  }
0x43: {  	_ =	shalt  }
0x44: {  	_ =	shalt  }
0x45: {  	_ =	shalt  }
0x46: {  	_ =	shalt  }
0x47: {  	_ =	shalt  }
0x48: {  	_ =	shalt  }
0x49: {  	_ =	shalt  }
0x4a: {  	_ =	shalt  }
0x4b: {  	_ =	shalt  }
0x4c: {  	_ =	shalt  }
0x4d: {  	_ =	shalt  }
0x4e: {  	_ =	shalt  }
0x4f: {  	_ =	shalt  }
0x50: {  	_ =	shalt  }
0x51: {  	_ =	shalt  }
0x52: {  	_ =	shalt  }
0x53: {  	_ =	shalt  }
0x54: {  	_ =	shalt  }
0x55: {  	_ =	shalt  }
0x56: {  	_ =	shalt  }
0x57: {  	_ =	shalt  }
0x58: {  	_ =	shalt  }
0x59: {  	_ =	shalt  }
0x5a: {  	_ =	shalt  }
0x5b: {  	_ =	shalt  }
0x5c: {  	_ =	shalt  }
0x5d: {  	_ =	shalt  }
0x5e: {  	_ =	shalt  }
0x5f: {  	_ =	shalt  }
0x60: {  	_ =	shalt  }
0x61: {  	_ =	shalt  }
0x62: {  	_ =	shalt  }
0x63: {  	_ =	shalt  }
0x64: {  	_ =	shalt  }
0x65: {  	_ =	shalt  }
0x66: {  	_ =	shalt  }
0x67: {  	_ =	shalt  }
0x68: {  	_ =	shalt  }
0x69: {  	_ =	shalt  }
0x6a: {  	_ =	shalt  }
0x6b: {  	_ =	shalt  }
0x6c: {  	_ =	shalt  }
0x6d: {  	_ =	shalt  }
0x6e: {  	_ =	shalt  }
0x6f: {  	_ =	shalt  }
0x70: {  	_ =	shalt  }
0x71: {  	_ =	shalt  }
0x72: {  	_ =	shalt  }
0x73: {  	_ =	shalt  }
0x74: {  	_ =	shalt  }
0x75: {  	_ =	shalt  }
0x76: {  	_ =	shalt  }
0x77: {  	_ =	shalt  }
0x78: {  	_ =	shalt  }
0x79: {  	_ =	shalt  }
0x7a: {  	_ =	shalt  }
0x7b: {  	_ =	shalt  }
0x7c: {  	_ =	shalt  }
0x7d: {  	_ =	shalt  }
0x7e: {  	_ =	shalt  }
0x7f: {  	_ =	shalt  }
0x80: {  	_ =	shalt  }
0x81: {  	_ =	shalt  }
0x82: {  	_ =	shalt  }
0x83: {  	_ =	shalt  }
0x84: {  	_ =	shalt  }
0x85: {  	_ =	shalt  }
0x86: {  	_ =	shalt  }
0x87: {  	_ =	shalt  }
.Lfunc_end0:
.L_simem_size_0:
called_computation_lowered:
.L_overlay_start_0:
0x88: {  	s2 =	sld [smem:$0x3FD9]  }
0x89: {  	s3 =	sld [smem:$0x3FFE];
	_ =	sdelay $0x1  }
0x8a: {  	s1 =	srdreg.scid  }
0x8b: {  	s0 =	sand.u32 $0x1, s1  }
0x8c: {  	s17 =	sshll.u32 s0, $0xA;
	s2 =	sadd.s32 s3, s2  }
0x8d: {  	s2 =	sadd.s32 s2, s17  }
0x8e: {  	[smem:$0x3FB9] =	sst s2  }
0x8f: {  	_ = 	snop  }
0x90: {  	s2 =	sld [smem:$0x3FD0];
	(tm) =	ssettm $0x1  }
0x91: {  	s18 =	sld [smem:$0x3FFB];
	_ =	sdelay $0x3  }
0x92: {  	_ =	strace s18  }
0x93: {  	s3 =	sld [smem:$0x3FFC];
	_ =	sdelay $0x3  }
0x94: {  	_ =	strace s3  }
0x95: {  	s3 =	sld [smem:$0x3FFD];
	_ =	sdelay $0x3  }
0x96: {  	_ =	strace s3  }
0x97: {  	_ =	strace $0x8FFFFFFF  }
0x98: {  	s19 =	sld [smem:$0x3FDB];
	_ =	sdelay $0x1  }
0x99: {  	s4 =	simm.s32 $_scs_section_size  }
0x9a: {  	s5 =	simm.s32 $_size__tile_overlayer_lowered;
	s6 =	simm.s32 $_tile_overlayer_lowered  }
0x9b: {  	s22 =	simm.s32 $0x1BFF;
	s21 =	sshll.u32 s6, $0x1;
	s3 =	sadd.s32 s4, s19  }
0x9c: {  	s7 =	simm.s32 $0x0;
	s20 =	sshll.u32 s5, $0x1;
	s5 =	sadd.s32 s21, s3  }
0x9d: {  	[timem:s7], [sflag:s22] =	dma.local [hbm:s5], s20  }
0x9e: {  	_ =	swait.ge [sflag:s22], s20  }
0x9f: {  	s4 =	ssub.s32 $0x0, s20;
	[sflag:s22] =	ssyncset.done $0x0  }
0xa0: {  	[sflag:s22] =	ssyncadd.s32 s4;
	_ =	sdelay $0x1  }
0xa1: {  	s23 =	simm.s32 $0x1B8B  }
0xa2: {  	_ =	swait.ge [sflag:s23], $0x1  }
0xa3: {  	[sflag:s23] =	ssyncset.done $0x0  }
0xa4: {  	s25 =	simm.s32 $0x1B8E;
	s24 =	sld [smem:$0x3FFE];
	[sflag:s23] =	ssyncadd.s32 $0xFFFFFFFF  }
0xa5: {  	s26 =	simm.s32 $execute0_lowered;
	[smem:$0x3FD2] =	sst s25  }
0xa6: {  	s5 =	sshll.u32 s26, $0x1;
	_ =	strace $0x80000046;
	[dreg:$0x1] =	wrdreg $0xFFFFFFFF  }
0xa7: {  	s28 =	simm.s32 $_size_execute0_lowered;
	s3 =	sadd.s32 s3, s5;
	[dreg:$0x0] =	wrdreg $0x0  }
0xa8: {  	s5 =	sshll.u32 s28, $0x1;
	[dreg:$0x2] =	wrdreg s3  }
0xa9: {  	[dreg:$0x3] =	wrdreg s5  }
0xaa: {  	[dreg:$0x4] =	wrdreg $0xC0  }
0xab: {  	_ =	task [dreg:s7], $0x5FFFF  }
0xac: {  	[dreg:$0x1] =	wrdreg $0xFFFFFFFF  }
0xad: {  	[dreg:$0x0] =	wrdreg $0x60  }
0xae: {  	[dreg:$0x2] =	wrdreg s2  }
0xaf: {  	[dreg:$0x3] =	wrdreg s24  }
0xb0: {  	[dreg:$0x4] =	wrdreg $0x82000  }
0xb1: {  	[dreg:$0x5] =	wrdreg $0x9  }
0xb2: {  	_ =	task.clear_ibuf [dreg:s7], $0x6FFFF;
	_ =	strace $0x90000046  }
0xb3: {  	s29 =	simm.s32 $0x9;
	_ =	strace $0x80000048  }
0xb4: {  	_ =	swait.ge [sflag:s29], $0x1  }
0xb5: {  	[sflag:s29] =	ssyncadd.s32 $0xFFFFFFFF  }
0xb6: {  	_ =	strace $0x90000048  }
0xb7: {  	_ =	sfence  }
0xb8: {  	s30 =	sld [smem:$0x0];
	_ =	sdelay $0x2  }
0xb9: {  	s31 =	sshll.u32 s1, $0xD;
	s1 =	sshrl.u32 s1, $0x2  }
0xba: {  	s3 =	sand.u32 $0x4000, s31;
	s1 =	sadd.s32 s1, s30  }
0xbb: {  	s0 =	sor.u32 s3, s0;
	s1 =	sshll.u32 s1, $0x11  }
0xbc: {  	s0 =	sor.u32 s1, s0  }
0xbd: {  	s0 =	sadd.s32 $0x8F2B, s0  }
0xbe: {  	[sflag:s0] =	ssyncadd.remote.s32 $0x1  }
0xbf: {  	_ =	sfence.sel $0xFFFF  }
0xc0: {  	[dreg:$0x0] =	wrdreg $0xFFFFFFFF;
	(pc) =	sbr.abs _section_cstart, $3  }
0xc1: {  	[dreg:$0x1] =	wrdreg $0xFFFFFFFF  }
0xc2: {  	_ =	task.clear_ibuf [dreg:s7], $0x2FFFF;
	_ =	strace $0x9FFFFFFF  }
0xc3: {  	(tm) =	ssettm $0x7FFFFFFF  }
tec
execute0_lowered:
.L_overlay_start_1:
0x0: {  	(tag) =	ssettag $0x1  }
0x1: {  	s1 =	rddreg [dreg:$0x0]  }
0x2: {  	s6 =	rddreg [dreg:$0x1]  }
0x3: {  	s2 =	rddreg [dreg:$0x2]  }
0x4: {  	s0 =	rddreg [dreg:$0x3]  }
0x5: {  	s3 =	simm.s32 $0x0;
	s13 =	stileid.u32;
	s4 =	srdreg.scid  }
0x6: {  	s19 =	simm.s32 $0x4200;
	s20 =	simm.s32 $0x1;
	s21 =	simm.s32 $0x2  }
0x7: {  	s22 =	simm.s32 $0x180;
	s23 =	simm.s32 $0x0;
	[smem:$0x7FF] =	sst s3  }
0x8: {  	s9 =	smul.u32 $0x13800, s13;
	s10 =	sadd.s32 $0x2A00, s6;
	s11 =	sand.u32 $0x1, s4  }
0x9: {  	s7 =	smul.u32 $0x4E000, s13;
	s12 =	sadd.s32 $0x3DC00, s6;
	s29 =	sshll.u32 s13, $0x6  }
0xa: {  	s17 =	sadd.s32 $0x138000, s2;
	s18 =	smul.u32 $0xA00, s13;
	p0 =	sne.s32 s13, $0x0  }
0xb: {  	_ =	strace $0x80000047;
	s25 =	ssub.s32 $0x2, s11;
	s16 =	smul.u32 $0x138800, s11  }
0xc: {  	s14 =	sshll.u32 s11, $0x4;
	s11 =	smul.u32 $0xA000, s11;
	s5 =	sshrl.u32 s9, $0x3  }
0xd: {  	s8 =	sshrl.u32 s25, $0x1;
	s26 =	sor.u32 s13, s14;
	s7 =	sshrl.u32 s7, $0x2  }
0xe: {  	s14 =	simm.s32 $0x3;
	s24 =	sadd.s32 s5, s6;
	s15 =	ssub.s32 s25, s8  }
0xf: {  	s28 =	sadd.s32 s7, s2;
	s30 =	smul.u32 $0xA00, s26;
	s5 =	sor.u32 $0x1C03, s29  }
0x10: {  	s6 =	sadd.s32 $0x3DA00, s6;
	s9 =	sadd.s32 s9, s16;
	s16 =	sshrl.u32 s16, $0x3  }
0x11: {  	s31 =	sadd.s32 s11, s10;
	s4 =	sadd.s32 $0x16A00, s24;
	s9 =	sshrl.u32 s9, $0x3  }
0x12: {  	s11 =	smax.u32 s15, $0x1;
	s13 =	sshrl.u32 s28, $0x3;
	s15 =	sshrl.u32 @!p0 s17, $0x3  }
0x13: {  	s17 =	simm.s32 $0x200;
	s7 =	sadd.s32 s10, s30;
	s9 =	sadd.s32 s12, s9  }
0x14: {  	s12 =	sadd.s32 s12, s16;
	s16 =	simm.s32 $0x80;
	s8 =	sadd.s32 $0x20, s7  }
0x15: {  	s10 =	sadd.s32 $0x27000, s12;
	s12 =	sadd.s32 s18, s31;
	s18 =	simm.s32 $0x100  }
.LBB2_1:
0x16: {  	[spmem:s13], [sflag:s5] =	dma.local [hbm:s4], $0x2700  }
0x17: {  	_ =	swait.ge [sflag:s14], $0x2700  }
0x18: {  	[sflag:s14] =	ssyncset.done $0x0  }
0x19: {  	s24 =	simm.s32 @!p0 $0x3;
	[sflag:s14] =	ssyncadd.s32 $0xFFFFD900  }
0x1a: {  	[spmem:s15], [sflag:s5] =	dma.local @!p0 [hbm:s6], $0x100  }
0x1b: {  	_ =	swait.ge @!p0 [sflag:s24], $0x100  }
0x1c: {  	[sflag:s24] =	ssyncset.done @!p0 $0x0  }
0x1d: {  	[sflag:s24] =	ssyncadd.s32 @!p0 $0xFFFFFF00  }
0x1e: {  	[bflag:$0x0] =	sbarrier.arrive $0xFFFF  }
0x1f: {  	[tilespmem:s3], [sflag:$0x3] =	stream.linear.gather [hbm4b:s7+s3], $0x100, $0x38;
	[tilespmem:$0x1CA80] =	vst v63  }
0x20: {  	_ =	swait.ge [sflag:s14], $0x100  }
0x21: {  	[sflag:s14] =	ssyncset.done $0x0  }
0x22: {  	[sflag:s14] =	ssyncadd.s32 $0xFFFFFF00  }
0x23: {  	[tilespmem:s17], [sflag:$0x1] =	stream.indirect.gather [hbm4b:s1+s16], $0x80, s3, s16, $0xb8;
	[tilespmem:$0x1CA80] =	vst v63  }
0x24: {  	_ = 	snop  }
0x25: {  	[tilespmem:s18], [sflag:$0x3] =	stream.linear.gather [hbm4b:s8+s3], $0x100, $0x38;
	[tilespmem:$0x1CA80] =	vst v63  }
0x26: {  	_ =	swait.ge [sflag:s14], $0x100  }
0x27: {  	[sflag:s14] =	ssyncset.done $0x0  }
0x28: {  	[sflag:s14] =	ssyncadd.s32 $0xFFFFFF00  }
0x29: {  	[tilespmem:s19], [sflag:$0x2] =	stream.indirect.gather [hbm4b:s1+s16], $0x80, s18, s16, $0xb8;
	[tilespmem:$0x1CA80] =	vst v63  }
0x2a: {  	_ =	swait.ge [sflag:s20], $0x4000  }
0x2b: {  	[sflag:s20] =	ssyncset.done $0x0  }
0x2c: {  	[sflag:s20] =	ssyncadd.s32 $0xFFFFC000  }
0x2d: {  	[spmem:s2] =	stream.indirect.scatter.add.f32 [tilespmem:s17], [sflag:$0x3], $0x80, s16, s16, $0xb8;
	[tilespmem:$0x1CA80] =	vst v63  }
0x2e: {  	_ =	swait.ge [sflag:s14], $0x4000  }
0x2f: {  	s31 =	sadd.s32 $0xFFFFF640, s12;
	[sflag:s14] =	ssyncset.done $0x0  }
0x30: {  	s25 =	sadd.s32 $0xA00, s31;
	[sflag:s14] =	ssyncadd.s32 $0xFFFFC000  }
0x31: {  	[tilespmem:s3], [sflag:$0x3] =	stream.linear.gather [hbm4b:s25+s3], $0x100, $0x38;
	[tilespmem:$0x1CA80] =	vst v63  }
0x32: {  	_ =	swait.ge [sflag:s14], $0x100  }
0x33: {  	[sflag:s14] =	ssyncset.done $0x0  }
0x34: {  	[sflag:s14] =	ssyncadd.s32 $0xFFFFFF00  }
0x35: {  	[tilespmem:s17], [sflag:$0x1] =	stream.indirect.gather [hbm4b:s1+s16], $0x80, s3, s16, $0xb8;
	[tilespmem:$0x1CA80] =	vst v63  }
0x36: {  	_ =	swait.ge [sflag:s21], $0x4000  }
0x37: {  	[sflag:s21] =	ssyncset.done $0x0  }
0x38: {  	[sflag:s21] =	ssyncadd.s32 $0xFFFFC000  }
0x39: {  	[spmem:s2] =	stream.indirect.scatter.add.f32 [tilespmem:s19], [sflag:$0x3], $0x80, s22, s16, $0xb8;
	[tilespmem:$0x1CA80] =	vst v63  }
0x3a: {  	_ =	swait.ge [sflag:s14], $0x4000  }
0x3b: {  	[sflag:s14] =	ssyncset.done $0x0  }
0x3c: {  	s24 =	sadd.s32 $0xA20, s31;
	[sflag:s14] =	ssyncadd.s32 $0xFFFFC000  }
0x3d: {  	[tilespmem:s18], [sflag:$0x3] =	stream.linear.gather [hbm4b:s24+s3], $0x100, $0x38;
	[tilespmem:$0x1CA80] =	vst v63  }
0x3e: {  	_ =	swait.ge [sflag:s14], $0x100  }
0x3f: {  	[sflag:s14] =	ssyncset.done $0x0  }
0x40: {  	s24 =	simm.s32 $0xFFFFF680;
	[sflag:s14] =	ssyncadd.s32 $0xFFFFFF00  }
.LBB2_2:
0x41: {  	[tilespmem:s19], [sflag:$0x2] =	stream.indirect.gather [hbm4b:s1+s16], $0x80, s18, s16, $0xb8;
	[tilespmem:$0x1CA80] =	vst v63  }
0x42: {  	s25 =	smov.u32 s24  }
0x43: {  	p1 =	sne.s32 s24, $0xFFFFFFC0;
	s24 =	sadd.s32 $0x40, s24;
	_ =	swait.ge [sflag:s20], $0x4000  }
0x44: {  	[sflag:s20] =	ssyncset.done $0x0  }
0x45: {  	[sflag:s20] =	ssyncadd.s32 $0xFFFFC000  }
0x46: {  	[spmem:s2] =	stream.indirect.scatter.add.f32 [tilespmem:s17], [sflag:$0x3], $0x80, s16, s16, $0xb8;
	[tilespmem:$0x1CA80] =	vst v63  }
0x47: {  	_ =	swait.ge [sflag:s14], $0x4000  }
0x48: {  	s25 =	sadd.s32 s25, s12;
	[sflag:s14] =	ssyncset.done $0x0  }
0x49: {  	s26 =	sadd.s32 $0xA00, s25;
	[sflag:s14] =	ssyncadd.s32 $0xFFFFC000  }
0x4a: {  	[tilespmem:s3], [sflag:$0x3] =	stream.linear.gather [hbm4b:s26+s3], $0x100, $0x38;
	[tilespmem:$0x1CA80] =	vst v63  }
0x4b: {  	_ =	swait.ge [sflag:s14], $0x100  }
0x4c: {  	[sflag:s14] =	ssyncset.done $0x0  }
0x4d: {  	[sflag:s14] =	ssyncadd.s32 $0xFFFFFF00  }
0x4e: {  	[tilespmem:s17], [sflag:$0x1] =	stream.indirect.gather [hbm4b:s1+s16], $0x80, s3, s16, $0xb8;
	[tilespmem:$0x1CA80] =	vst v63  }
0x4f: {  	_ =	swait.ge [sflag:s21], $0x4000  }
0x50: {  	[sflag:s21] =	ssyncset.done $0x0  }
0x51: {  	[sflag:s21] =	ssyncadd.s32 $0xFFFFC000  }
0x52: {  	[spmem:s2] =	stream.indirect.scatter.add.f32 [tilespmem:s19], [sflag:$0x3], $0x80, s22, s16, $0xb8;
	[tilespmem:$0x1CA80] =	vst v63  }
0x53: {  	_ =	swait.ge [sflag:s14], $0x4000  }
0x54: {  	[sflag:s14] =	ssyncset.done $0x0  }
.Ltmp0:
0x55: {  	s25 =	sadd.s32 $0xA20, s25;
	[sflag:s14] =	ssyncadd.s32 $0xFFFFC000;
	(pc) =	sbr.rel @p1 .LBB2_2-.Ltmp0, $4  }
0x56: {  	[tilespmem:s18], [sflag:$0x3] =	stream.linear.gather [hbm4b:s25+s3], $0x100, $0x38;
	[tilespmem:$0x1CA80] =	vst v63  }
0x57: {  	_ =	swait.ge [sflag:s14], $0x100  }
0x58: {  	[sflag:s14] =	ssyncset.done $0x0  }
0x59: {  	[sflag:s14] =	ssyncadd.s32 $0xFFFFFF00  }
0x5a: {  	[tilespmem:s19], [sflag:$0x2] =	stream.indirect.gather [hbm4b:s1+s16], $0x80, s18, s16, $0xb8;
	[tilespmem:$0x1CA80] =	vst v63  }
0x5b: {  	_ =	swait.ge [sflag:s20], $0x4000  }
0x5c: {  	[sflag:s20] =	ssyncset.done $0x0  }
0x5d: {  	[sflag:s20] =	ssyncadd.s32 $0xFFFFC000  }
0x5e: {  	[spmem:s2] =	stream.indirect.scatter.add.f32 [tilespmem:s17], [sflag:$0x3], $0x80, s16, s16, $0xb8;
	[tilespmem:$0x1CA80] =	vst v63  }
0x5f: {  	_ =	swait.ge [sflag:s14], $0x4000  }
0x60: {  	[sflag:s14] =	ssyncset.done $0x0  }
0x61: {  	[sflag:s14] =	ssyncadd.s32 $0xFFFFC000  }
0x62: {  	_ =	swait.ge [sflag:s21], $0x4000  }
0x63: {  	[sflag:s21] =	ssyncset.done $0x0  }
0x64: {  	[sflag:s21] =	ssyncadd.s32 $0xFFFFC000  }
0x65: {  	[spmem:s2] =	stream.indirect.scatter.add.f32 [tilespmem:s19], [sflag:$0x3], $0x80, s22, s16, $0xb8;
	[tilespmem:$0x1CA80] =	vst v63  }
0x66: {  	_ =	swait.ge [sflag:s14], $0x4000  }
0x67: {  	[sflag:s14] =	ssyncset.done $0x0  }
0x68: {  	[sflag:s14] =	ssyncadd.s32 $0xFFFFC000  }
0x69: {  	[bflag:$0x0] =	sbarrier.arrive $0xFFFF  }
0x6a: {  	[hbm:s9], [sflag:s5] =	dma.local [spmem:s13], $0x2700  }
0x6b: {  	s23 =	sadd.s32 $0x1, s23;
	_ =	swait.ge [sflag:s14], $0x2700  }
0x6c: {  	p1 =	sne.s32 s23, s11;
	[sflag:s14] =	ssyncset.done $0x0  }
.Ltmp1:
0x6d: {  	s24 =	simm.s32 @!p0 $0x3;
	[sflag:s14] =	ssyncadd.s32 $0xFFFFD900;
	(pc) =	sbr.rel @p1 .LBB2_1-.Ltmp1, $4  }
0x6e: {  	[hbm:s10], [sflag:s5] =	dma.local @!p0 [spmem:s15], $0x100  }
0x6f: {  	_ =	swait.ge @!p0 [sflag:s24], $0x100  }
0x70: {  	[sflag:s24] =	ssyncset.done @!p0 $0x0  }
0x71: {  	[sflag:s24] =	ssyncadd.s32 @!p0 $0xFFFFFF00  }
0x72: {  	_ =	sfence.sel $0x180000  }
0x73: {  	[bflag:$0x0] =	sbarrier.arrive $0xFFFF  }
0x74: {  	_ =	strace $0x90000047  }
0x75: {  	s0 =	sadd.s32 @!p0 $0x100000, s0;
	[bflag:$0x2] =	sbarrier.arrive $0xFFFF  }
0x76: {  	[sflag:s0] =	ssyncadd.tile.s32 @!p0 $0x1;
	_ =	shalt  }
.Lfunc_end2:
_tile_overlayer_lowered:
.L_overlay_start_2:
0x77: {  	(tag) =	ssettag $0x2  }
0x78: {  	s0 =	rddreg [dreg:$0x0];
	s2 =	stileid.u32  }
0x79: {  	s1 =	rddreg [dreg:$0x1];
	p0 =	sne.s32 s2, $0x0  }
0x7a: {  	s3 =	rddreg [dreg:$0x2];
	[bflag:$0x3] =	sbarrier.arrive $0xFFFF;
	s2 =	simm.s32 @!p0 $0x1C03  }
0x7b: {  	[timem:s3], [sflag:s2] =	dma.local @!p0 [hbm:s0], s1  }
0x7c: {  	s0 =	simm.s32 @!p0 $0x3  }
0x7d: {  	_ =	swait.ge @!p0 [sflag:s0], s1  }
0x7e: {  	s1 =	ssub.s32 @!p0 $0x0, s1;
	[sflag:s0] =	ssyncset.done @!p0 $0x0  }
0x7f: {  	[sflag:s0] =	ssyncadd.s32 @!p0 s1  }
0x80: {  	[bflag:$0x3] =	sbarrier.arrive $0xFFFF  }
0x81: {  	_ =	shalt  }

</sc_bundles>
